<compile_context>
chip_gen: v7x
topology: tpu7x:2x2x1
jax: 0.10.2.dev20260603
libtpu: 0.0.44.dev20260713+nightly
codegen_flags: <defaults>
</compile_context>

<pallas_src>
import functools

import jax
import jax.numpy as jnp
from jax import lax
from jax.experimental import pallas as pl
from jax.experimental.pallas import tpu as pltpu
from jax.experimental.pallas import tpu_sc as plsc

_BATCH = 4
_SEQ = 4096
_D = 1024

_NC = 2
_NS = 16
_NW = _NC * _NS

_SROWS = _SEQ // _NW
_CH = 2
_NCHUNK = _SROWS // _CH
_NG = _D // 16


def _sc_body(x_hbm, p_hbm, o_hbm,
             i00, i01, i02, i03, i10, i11, i12, i13,
             o00, o01, o02, o03, o10, o11, o12, o13,
             pos0, pos1,
             isem0, isem1, psem0, psem1, osem0, osem1):
    wid = lax.axis_index("c") * _NS + lax.axis_index("s")
    base = wid * _SROWS

    ins = ((i00, i01, i02, i03), (i10, i11, i12, i13))
    outs = ((o00, o01, o02, o03), (o10, o11, o12, o13))
    poss = (pos0, pos1)
    isems = (isem0, isem1)
    psems = (psem0, psem1)
    osems = (osem0, osem1)

    for b in range(_BATCH):
        pltpu.async_copy(
            x_hbm.at[pl.ds(b * _SEQ + base, _CH)], ins[0][b], isem0)
    pltpu.async_copy(p_hbm.at[pl.ds(base, _CH)], pos0, psem0)

    def cpair(jc, carry):
        for jj in range(2):
            j = jc * 2 + jj
            slot = jj
            row0 = base + j * _CH
            nrow0 = row0 + _CH

            @pl.when(j + 1 < _NCHUNK)
            def _():
                for b in range(_BATCH):
                    pltpu.async_copy(
                        x_hbm.at[pl.ds(b * _SEQ + nrow0, _CH)],
                        ins[1 - slot][b], isems[1 - slot])
                pltpu.async_copy(
                    p_hbm.at[pl.ds(nrow0, _CH)], poss[1 - slot],
                    psems[1 - slot])

            for _k in range(_BATCH):
                pltpu.make_async_copy(
                    x_hbm.at[pl.ds(0, _CH)], ins[slot][0],
                    isems[slot]).wait()
            pltpu.make_async_copy(
                p_hbm.at[pl.ds(0, _CH)], poss[slot], psems[slot]).wait()

            @pl.when(j >= 2)
            def _():
                for _k in range(_BATCH):
                    pltpu.make_async_copy(
                        outs[slot][0], o_hbm.at[pl.ds(0, _CH)],
                        osems[slot]).wait()

            def add_grp(g, c):
                sl = pl.ds(g * 16, 16)
                for r in range(_CH):
                    pv = poss[slot][r, sl]
                    for b in range(_BATCH):
                        outs[slot][b][r, sl] = ins[slot][b][r, sl] + pv
                return c

            lax.fori_loop(0, _NG, add_grp, 0)

            for b in range(_BATCH):
                pltpu.async_copy(
                    outs[slot][b], o_hbm.at[pl.ds(b * _SEQ + row0, _CH)],
                    osems[slot])
        return carry

    lax.fori_loop(0, _NCHUNK // 2, cpair, 0)

    for s in range(2):
        for _k in range(_BATCH):
            pltpu.make_async_copy(
                outs[s][0], o_hbm.at[pl.ds(0, _CH)], osems[s]).wait()


_sc_add = functools.partial(
    pl.kernel,
    mesh=plsc.VectorSubcoreMesh(core_axis_name="c", subcore_axis_name="s"),
    out_type=jax.ShapeDtypeStruct((_BATCH * _SEQ, _D), jnp.float32),
    scratch_types=(
        [pltpu.VMEM((_CH, _D), jnp.float32) for _ in range(18)]
        + [pltpu.SemaphoreType.DMA for _ in range(6)]
    ),
)(_sc_body)


def kernel(inputs, pos_table):
    out = _sc_add(inputs.reshape(_BATCH * _SEQ, _D), pos_table)
    return out.reshape(inputs.shape)

# --- scband reference (transcript-rebuilt; emitter-appended) ---
"""Pipeline reference for scband-positional-encoding-layer-16930761081355 (READ-ONLY COPY).

The authoritative reference and input builder live on the scoring server;
editing this copy changes nothing except your own understanding.
"""

import jax, jax.numpy as jnp
import numpy as np

SEQ_LEN = 4096
D_MODEL = 1024
BATCH = 4

def setup_inputs(seed: int = 0) -> dict:
    key = jax.random.key(seed)
    k1, k2 = jax.random.split(key)
    inputs = jax.random.normal(k1, (BATCH, SEQ_LEN, D_MODEL), dtype=jnp.float32)
    # Keras Embedding default init: uniform(-0.05, 0.05)
    pos_table = jax.random.uniform(k2, (SEQ_LEN, D_MODEL), dtype=jnp.float32, minval=-0.05, maxval=0.05)
    return {"inputs": inputs, "pos_table": pos_table}

def reference(inputs, pos_table):
    positions = jnp.arange(SEQ_LEN)
    pos_encoding = jnp.take(pos_table, positions, axis=0)  # embedding lookup [S, D]
    pos_encoding = jnp.expand_dims(pos_encoding, axis=0)   # [1, S, D]
    return inputs + pos_encoding

if __name__ == "__main__":
    import jax
    _d = setup_inputs()
    print(jax.jit(kernel)(*tuple(_d.values())))

</pallas_src>

<mosaic_0001>
#map = affine_map<(d0, d1) -> (0, 0)>
module attributes {stable_mosaic.version = 14 : i64} {
  func.func @_sc_body(%arg0: i32, %arg1: i32, %arg2: memref<16384x1024xf32, #tpu.memory_space<hbm>>, %arg3: memref<4096x1024xf32, #tpu.memory_space<hbm>>, %arg4: memref<16384x1024xf32, #tpu.memory_space<hbm>>, %arg5: memref<2x1024xf32, #tpu.memory_space<vmem>>, %arg6: memref<2x1024xf32, #tpu.memory_space<vmem>>, %arg7: memref<2x1024xf32, #tpu.memory_space<vmem>>, %arg8: memref<2x1024xf32, #tpu.memory_space<vmem>>, %arg9: memref<2x1024xf32, #tpu.memory_space<vmem>>, %arg10: memref<2x1024xf32, #tpu.memory_space<vmem>>, %arg11: memref<2x1024xf32, #tpu.memory_space<vmem>>, %arg12: memref<2x1024xf32, #tpu.memory_space<vmem>>, %arg13: memref<2x1024xf32, #tpu.memory_space<vmem>>, %arg14: memref<2x1024xf32, #tpu.memory_space<vmem>>, %arg15: memref<2x1024xf32, #tpu.memory_space<vmem>>, %arg16: memref<2x1024xf32, #tpu.memory_space<vmem>>, %arg17: memref<2x1024xf32, #tpu.memory_space<vmem>>, %arg18: memref<2x1024xf32, #tpu.memory_space<vmem>>, %arg19: memref<2x1024xf32, #tpu.memory_space<vmem>>, %arg20: memref<2x1024xf32, #tpu.memory_space<vmem>>, %arg21: memref<2x1024xf32, #tpu.memory_space<vmem>>, %arg22: memref<2x1024xf32, #tpu.memory_space<vmem>>, %arg23: memref<!tpu.dma_semaphore, #tpu.memory_space<semaphore_mem>>, %arg24: memref<!tpu.dma_semaphore, #tpu.memory_space<semaphore_mem>>, %arg25: memref<!tpu.dma_semaphore, #tpu.memory_space<semaphore_mem>>, %arg26: memref<!tpu.dma_semaphore, #tpu.memory_space<semaphore_mem>>, %arg27: memref<!tpu.dma_semaphore, #tpu.memory_space<semaphore_mem>>, %arg28: memref<!tpu.dma_semaphore, #tpu.memory_space<semaphore_mem>>) attributes {dimension_semantics = [#tpu.dimension_semantics<core_parallel>, #tpu.dimension_semantics<subcore_parallel>], iteration_bounds = array<i64: 2, 16>, scalar_prefetch = 0 : i64, scratch_operands = 24 : i64, tpu.core_type = #tpu.core_type<sc_vector_subcore>, window_params = [{transform_indices = #map}, {transform_indices = #map}, {transform_indices = #map}]} {
    %mul3A = arith.constant 16 : i32
    %mul3A_0 = arith.muli %arg0, %mul3A : i32
    %add3A = arith.addi %mul3A_0, %arg1 : i32
    %mul3A_1 = arith.constant 128 : i32
    %mul3A_2 = arith.muli %add3A, %mul3A_1 : i32
    %add3A_3 = arith.constant 0 : i32
    %add3A_4 = arith.addi %add3A_3, %mul3A_2 : i32
    %dma_start3A = arith.constant 0 : i32
    %dma_start3A_5 = tpu.memref_slice %arg2[%add3A_4, %dma_start3A] : memref<16384x1024xf32, #tpu.memory_space<hbm>> -> memref<2x1024xf32, #tpu.memory_space<hbm>>
    %dma_start3A_6 = arith.constant 0 : i32
    %dma_start3A_7 = tpu.memref_slice %arg2[%add3A_4, %dma_start3A_6] : memref<16384x1024xf32, #tpu.memory_space<hbm>> -> memref<2x1024xf32, #tpu.memory_space<hbm>>
    tpu.enqueue_dma source(%dma_start3A_7 : memref<2x1024xf32, #tpu.memory_space<hbm>>) target(%arg5 : memref<2x1024xf32, #tpu.memory_space<vmem>>) target_semaphore(%arg23 : memref<!tpu.dma_semaphore, #tpu.memory_space<semaphore_mem>>)
    %add3A_8 = arith.constant 4096 : i32
    %add3A_9 = arith.addi %add3A_8, %mul3A_2 : i32
    %dma_start3A_10 = arith.constant 0 : i32
    %dma_start3A_11 = tpu.memref_slice %arg2[%add3A_9, %dma_start3A_10] : memref<16384x1024xf32, #tpu.memory_space<hbm>> -> memref<2x1024xf32, #tpu.memory_space<hbm>>
    %dma_start3A_12 = arith.constant 0 : i32
    %dma_start3A_13 = tpu.memref_slice %arg2[%add3A_9, %dma_start3A_12] : memref<16384x1024xf32, #tpu.memory_space<hbm>> -> memref<2x1024xf32, #tpu.memory_space<hbm>>
    tpu.enqueue_dma source(%dma_start3A_13 : memref<2x1024xf32, #tpu.memory_space<hbm>>) target(%arg6 : memref<2x1024xf32, #tpu.memory_space<vmem>>) target_semaphore(%arg23 : memref<!tpu.dma_semaphore, #tpu.memory_space<semaphore_mem>>)
    %add3A_14 = arith.constant 8192 : i32
    %add3A_15 = arith.addi %add3A_14, %mul3A_2 : i32
    %dma_start3A_16 = arith.constant 0 : i32
    %dma_start3A_17 = tpu.memref_slice %arg2[%add3A_15, %dma_start3A_16] : memref<16384x1024xf32, #tpu.memory_space<hbm>> -> memref<2x1024xf32, #tpu.memory_space<hbm>>
    %dma_start3A_18 = arith.constant 0 : i32
    %dma_start3A_19 = tpu.memref_slice %arg2[%add3A_15, %dma_start3A_18] : memref<16384x1024xf32, #tpu.memory_space<hbm>> -> memref<2x1024xf32, #tpu.memory_space<hbm>>
    tpu.enqueue_dma source(%dma_start3A_19 : memref<2x1024xf32, #tpu.memory_space<hbm>>) target(%arg7 : memref<2x1024xf32, #tpu.memory_space<vmem>>) target_semaphore(%arg23 : memref<!tpu.dma_semaphore, #tpu.memory_space<semaphore_mem>>)
    %add3A_20 = arith.constant 12288 : i32
    %add3A_21 = arith.addi %add3A_20, %mul3A_2 : i32
    %dma_start3A_22 = arith.constant 0 : i32
    %dma_start3A_23 = tpu.memref_slice %arg2[%add3A_21, %dma_start3A_22] : memref<16384x1024xf32, #tpu.memory_space<hbm>> -> memref<2x1024xf32, #tpu.memory_space<hbm>>
    %dma_start3A_24 = arith.constant 0 : i32
    %dma_start3A_25 = tpu.memref_slice %arg2[%add3A_21, %dma_start3A_24] : memref<16384x1024xf32, #tpu.memory_space<hbm>> -> memref<2x1024xf32, #tpu.memory_space<hbm>>
    tpu.enqueue_dma source(%dma_start3A_25 : memref<2x1024xf32, #tpu.memory_space<hbm>>) target(%arg8 : memref<2x1024xf32, #tpu.memory_space<vmem>>) target_semaphore(%arg23 : memref<!tpu.dma_semaphore, #tpu.memory_space<semaphore_mem>>)
    %dma_start3A_26 = arith.constant 0 : i32
    %dma_start3A_27 = tpu.memref_slice %arg3[%mul3A_2, %dma_start3A_26] : memref<4096x1024xf32, #tpu.memory_space<hbm>> -> memref<2x1024xf32, #tpu.memory_space<hbm>>
    %dma_start3A_28 = arith.constant 0 : i32
    %dma_start3A_29 = tpu.memref_slice %arg3[%mul3A_2, %dma_start3A_28] : memref<4096x1024xf32, #tpu.memory_space<hbm>> -> memref<2x1024xf32, #tpu.memory_space<hbm>>
    tpu.enqueue_dma source(%dma_start3A_29 : memref<2x1024xf32, #tpu.memory_space<hbm>>) target(%arg21 : memref<2x1024xf32, #tpu.memory_space<vmem>>) target_semaphore(%arg25 : memref<!tpu.dma_semaphore, #tpu.memory_space<semaphore_mem>>)
    %scan3A = arith.constant 0 : i32
    %scan3A_30 = arith.constant 0 : i32
    %scan3A_31 = arith.constant 32 : i32
    %scan3A_32 = arith.addi %scan3A_30, %scan3A_31 : i32
    %scan3A_33 = arith.constant 1 : i32
    scf.for %scan3A_82 = %scan3A_30 to %scan3A_32 step %scan3A_33  : i32 {
      %mul3A_83 = arith.constant 2 : i32
      %mul3A_84 = arith.muli %scan3A_82, %mul3A_83 : i32
      %add3A_85 = arith.constant 0 : i32
      %add3A_86 = arith.addi %mul3A_84, %add3A_85 : i32
      %mul3A_87 = arith.constant 2 : i32
      %mul3A_88 = arith.muli %add3A_86, %mul3A_87 : i32
      %add3A_89 = arith.addi %mul3A_2, %mul3A_88 : i32
      %add3A_90 = arith.constant 2 : i32
      %add3A_91 = arith.addi %add3A_89, %add3A_90 : i32
      %add3A_92 = arith.constant 1 : i32
      %add3A_93 = arith.addi %add3A_86, %add3A_92 : i32
      %lt3A = arith.constant 64 : i32
      %lt3A_94 = arith.cmpi slt, %add3A_93, %lt3A : i32
      %convert_element_type3A = arith.extui %lt3A_94 : i1 to i32
      %cond3A = arith.constant 0 : i32
      %cond3A_95 = arith.cmpi ne, %convert_element_type3A, %cond3A : i32
      scf.if %cond3A_95 {
        %add3A_241 = arith.constant 0 : i32
        %add3A_242 = arith.addi %add3A_241, %add3A_91 : i32
        %dma_start3A_243 = arith.constant 0 : i32
        %dma_start3A_244 = tpu.memref_slice %arg2[%add3A_242, %dma_start3A_243] : memref<16384x1024xf32, #tpu.memory_space<hbm>> -> memref<2x1024xf32, #tpu.memory_space<hbm>>
        %dma_start3A_245 = arith.constant 0 : i32
        %dma_start3A_246 = tpu.memref_slice %arg2[%add3A_242, %dma_start3A_245] : memref<16384x1024xf32, #tpu.memory_space<hbm>> -> memref<2x1024xf32, #tpu.memory_space<hbm>>
        tpu.enqueue_dma source(%dma_start3A_246 : memref<2x1024xf32, #tpu.memory_space<hbm>>) target(%arg9 : memref<2x1024xf32, #tpu.memory_space<vmem>>) target_semaphore(%arg24 : memref<!tpu.dma_semaphore, #tpu.memory_space<semaphore_mem>>)
        %add3A_247 = arith.constant 4096 : i32
        %add3A_248 = arith.addi %add3A_247, %add3A_91 : i32
        %dma_start3A_249 = arith.constant 0 : i32
        %dma_start3A_250 = tpu.memref_slice %arg2[%add3A_248, %dma_start3A_249] : memref<16384x1024xf32, #tpu.memory_space<hbm>> -> memref<2x1024xf32, #tpu.memory_space<hbm>>
        %dma_start3A_251 = arith.constant 0 : i32
        %dma_start3A_252 = tpu.memref_slice %arg2[%add3A_248, %dma_start3A_251] : memref<16384x1024xf32, #tpu.memory_space<hbm>> -> memref<2x1024xf32, #tpu.memory_space<hbm>>
        tpu.enqueue_dma source(%dma_start3A_252 : memref<2x1024xf32, #tpu.memory_space<hbm>>) target(%arg10 : memref<2x1024xf32, #tpu.memory_space<vmem>>) target_semaphore(%arg24 : memref<!tpu.dma_semaphore, #tpu.memory_space<semaphore_mem>>)
        %add3A_253 = arith.constant 8192 : i32
        %add3A_254 = arith.addi %add3A_253, %add3A_91 : i32
        %dma_start3A_255 = arith.constant 0 : i32
        %dma_start3A_256 = tpu.memref_slice %arg2[%add3A_254, %dma_start3A_255] : memref<16384x1024xf32, #tpu.memory_space<hbm>> -> memref<2x1024xf32, #tpu.memory_space<hbm>>
        %dma_start3A_257 = arith.constant 0 : i32
        %dma_start3A_258 = tpu.memref_slice %arg2[%add3A_254, %dma_start3A_257] : memref<16384x1024xf32, #tpu.memory_space<hbm>> -> memref<2x1024xf32, #tpu.memory_space<hbm>>
        tpu.enqueue_dma source(%dma_start3A_258 : memref<2x1024xf32, #tpu.memory_space<hbm>>) target(%arg11 : memref<2x1024xf32, #tpu.memory_space<vmem>>) target_semaphore(%arg24 : memref<!tpu.dma_semaphore, #tpu.memory_space<semaphore_mem>>)
        %add3A_259 = arith.constant 12288 : i32
        %add3A_260 = arith.addi %add3A_259, %add3A_91 : i32
        %dma_start3A_261 = arith.constant 0 : i32
        %dma_start3A_262 = tpu.memref_slice %arg2[%add3A_260, %dma_start3A_261] : memref<16384x1024xf32, #tpu.memory_space<hbm>> -> memref<2x1024xf32, #tpu.memory_space<hbm>>
        %dma_start3A_263 = arith.constant 0 : i32
        %dma_start3A_264 = tpu.memref_slice %arg2[%add3A_260, %dma_start3A_263] : memref<16384x1024xf32, #tpu.memory_space<hbm>> -> memref<2x1024xf32, #tpu.memory_space<hbm>>
        tpu.enqueue_dma source(%dma_start3A_264 : memref<2x1024xf32, #tpu.memory_space<hbm>>) target(%arg12 : memref<2x1024xf32, #tpu.memory_space<vmem>>) target_semaphore(%arg24 : memref<!tpu.dma_semaphore, #tpu.memory_space<semaphore_mem>>)
        %dma_start3A_265 = arith.constant 0 : i32
        %dma_start3A_266 = tpu.memref_slice %arg3[%add3A_91, %dma_start3A_265] : memref<4096x1024xf32, #tpu.memory_space<hbm>> -> memref<2x1024xf32, #tpu.memory_space<hbm>>
        %dma_start3A_267 = arith.constant 0 : i32
        %dma_start3A_268 = tpu.memref_slice %arg3[%add3A_91, %dma_start3A_267] : memref<4096x1024xf32, #tpu.memory_space<hbm>> -> memref<2x1024xf32, #tpu.memory_space<hbm>>
        tpu.enqueue_dma source(%dma_start3A_268 : memref<2x1024xf32, #tpu.memory_space<hbm>>) target(%arg22 : memref<2x1024xf32, #tpu.memory_space<vmem>>) target_semaphore(%arg26 : memref<!tpu.dma_semaphore, #tpu.memory_space<semaphore_mem>>)
      } else {
      }
      %dma_wait3A_96 = arith.constant 0 : i32
      %dma_wait3A_97 = arith.constant 0 : i32
      %dma_wait3A_98 = tpu.memref_slice %arg2[%dma_wait3A_96, %dma_wait3A_97] : memref<16384x1024xf32, #tpu.memory_space<hbm>> -> memref<2x1024xf32, #tpu.memory_space<hbm>>
      %dma_wait3A_99 = arith.constant 0 : i32
      %dma_wait3A_100 = arith.constant 0 : i32
      %dma_wait3A_101 = tpu.memref_slice %arg2[%dma_wait3A_99, %dma_wait3A_100] : memref<16384x1024xf32, #tpu.memory_space<hbm>> -> memref<2x1024xf32, #tpu.memory_space<hbm>>
      tpu.wait_dma2 semaphore(%arg23 : memref<!tpu.dma_semaphore, #tpu.memory_space<semaphore_mem>>) src(%dma_wait3A_101 : memref<2x1024xf32, #tpu.memory_space<hbm>>) dst(%arg5 : memref<2x1024xf32, #tpu.memory_space<vmem>>)
      %dma_wait3A_102 = arith.constant 0 : i32
      %dma_wait3A_103 = arith.constant 0 : i32
      %dma_wait3A_104 = tpu.memref_slice %arg2[%dma_wait3A_102, %dma_wait3A_103] : memref<16384x1024xf32, #tpu.memory_space<hbm>> -> memref<2x1024xf32, #tpu.memory_space<hbm>>
      %dma_wait3A_105 = arith.constant 0 : i32
      %dma_wait3A_106 = arith.constant 0 : i32
      %dma_wait3A_107 = tpu.memref_slice %arg2[%dma_wait3A_105, %dma_wait3A_106] : memref<16384x1024xf32, #tpu.memory_space<hbm>> -> memref<2x1024xf32, #tpu.memory_space<hbm>>
      tpu.wait_dma2 semaphore(%arg23 : memref<!tpu.dma_semaphore, #tpu.memory_space<semaphore_mem>>) src(%dma_wait3A_107 : memref<2x1024xf32, #tpu.memory_space<hbm>>) dst(%arg5 : memref<2x1024xf32, #tpu.memory_space<vmem>>)
      %dma_wait3A_108 = arith.constant 0 : i32
      %dma_wait3A_109 = arith.constant 0 : i32
      %dma_wait3A_110 = tpu.memref_slice %arg2[%dma_wait3A_108, %dma_wait3A_109] : memref<16384x1024xf32, #tpu.memory_space<hbm>> -> memref<2x1024xf32, #tpu.memory_space<hbm>>
      %dma_wait3A_111 = arith.constant 0 : i32
      %dma_wait3A_112 = arith.constant 0 : i32
      %dma_wait3A_113 = tpu.memref_slice %arg2[%dma_wait3A_111, %dma_wait3A_112] : memref<16384x1024xf32, #tpu.memory_space<hbm>> -> memref<2x1024xf32, #tpu.memory_space<hbm>>
      tpu.wait_dma2 semaphore(%arg23 : memref<!tpu.dma_semaphore, #tpu.memory_space<semaphore_mem>>) src(%dma_wait3A_113 : memref<2x1024xf32, #tpu.memory_space<hbm>>) dst(%arg5 : memref<2x1024xf32, #tpu.memory_space<vmem>>)
      %dma_wait3A_114 = arith.constant 0 : i32
      %dma_wait3A_115 = arith.constant 0 : i32
      %dma_wait3A_116 = tpu.memref_slice %arg2[%dma_wait3A_114, %dma_wait3A_115] : memref<16384x1024xf32, #tpu.memory_space<hbm>> -> memref<2x1024xf32, #tpu.memory_space<hbm>>
      %dma_wait3A_117 = arith.constant 0 : i32
      %dma_wait3A_118 = arith.constant 0 : i32
      %dma_wait3A_119 = tpu.memref_slice %arg2[%dma_wait3A_117, %dma_wait3A_118] : memref<16384x1024xf32, #tpu.memory_space<hbm>> -> memref<2x1024xf32, #tpu.memory_space<hbm>>
      tpu.wait_dma2 semaphore(%arg23 : memref<!tpu.dma_semaphore, #tpu.memory_space<semaphore_mem>>) src(%dma_wait3A_119 : memref<2x1024xf32, #tpu.memory_space<hbm>>) dst(%arg5 : memref<2x1024xf32, #tpu.memory_space<vmem>>)
      %dma_wait3A_120 = arith.constant 0 : i32
      %dma_wait3A_121 = arith.constant 0 : i32
      %dma_wait3A_122 = tpu.memref_slice %arg3[%dma_wait3A_120, %dma_wait3A_121] : memref<4096x1024xf32, #tpu.memory_space<hbm>> -> memref<2x1024xf32, #tpu.memory_space<hbm>>
      %dma_wait3A_123 = arith.constant 0 : i32
      %dma_wait3A_124 = arith.constant 0 : i32
      %dma_wait3A_125 = tpu.memref_slice %arg3[%dma_wait3A_123, %dma_wait3A_124] : memref<4096x1024xf32, #tpu.memory_space<hbm>> -> memref<2x1024xf32, #tpu.memory_space<hbm>>
      tpu.wait_dma2 semaphore(%arg25 : memref<!tpu.dma_semaphore, #tpu.memory_space<semaphore_mem>>) src(%dma_wait3A_125 : memref<2x1024xf32, #tpu.memory_space<hbm>>) dst(%arg21 : memref<2x1024xf32, #tpu.memory_space<vmem>>)
      %ge3A = arith.constant 2 : i32
      %ge3A_126 = arith.cmpi sge, %add3A_86, %ge3A : i32
      %convert_element_type3A_127 = arith.extui %ge3A_126 : i1 to i32
      %cond3A_128 = arith.constant 0 : i32
      %cond3A_129 = arith.cmpi ne, %convert_element_type3A_127, %cond3A_128 : i32
      scf.if %cond3A_129 {
        %dma_wait3A_241 = arith.constant 0 : i32
        %dma_wait3A_242 = arith.constant 0 : i32
        %dma_wait3A_243 = tpu.memref_slice %arg4[%dma_wait3A_241, %dma_wait3A_242] : memref<16384x1024xf32, #tpu.memory_space<hbm>> -> memref<2x1024xf32, #tpu.memory_space<hbm>>
        %dma_wait3A_244 = arith.constant 0 : i32
        %dma_wait3A_245 = arith.constant 0 : i32
        %dma_wait3A_246 = tpu.memref_slice %arg4[%dma_wait3A_244, %dma_wait3A_245] : memref<16384x1024xf32, #tpu.memory_space<hbm>> -> memref<2x1024xf32, #tpu.memory_space<hbm>>
        tpu.wait_dma2 semaphore(%arg27 : memref<!tpu.dma_semaphore, #tpu.memory_space<semaphore_mem>>) src(%arg13 : memref<2x1024xf32, #tpu.memory_space<vmem>>) dst(%dma_wait3A_246 : memref<2x1024xf32, #tpu.memory_space<hbm>>)
        %dma_wait3A_247 = arith.constant 0 : i32
        %dma_wait3A_248 = arith.constant 0 : i32
        %dma_wait3A_249 = tpu.memref_slice %arg4[%dma_wait3A_247, %dma_wait3A_248] : memref<16384x1024xf32, #tpu.memory_space<hbm>> -> memref<2x1024xf32, #tpu.memory_space<hbm>>
        %dma_wait3A_250 = arith.constant 0 : i32
        %dma_wait3A_251 = arith.constant 0 : i32
        %dma_wait3A_252 = tpu.memref_slice %arg4[%dma_wait3A_250, %dma_wait3A_251] : memref<16384x1024xf32, #tpu.memory_space<hbm>> -> memref<2x1024xf32, #tpu.memory_space<hbm>>
        tpu.wait_dma2 semaphore(%arg27 : memref<!tpu.dma_semaphore, #tpu.memory_space<semaphore_mem>>) src(%arg13 : memref<2x1024xf32, #tpu.memory_space<vmem>>) dst(%dma_wait3A_252 : memref<2x1024xf32, #tpu.memory_space<hbm>>)
        %dma_wait3A_253 = arith.constant 0 : i32
        %dma_wait3A_254 = arith.constant 0 : i32
        %dma_wait3A_255 = tpu.memref_slice %arg4[%dma_wait3A_253, %dma_wait3A_254] : memref<16384x1024xf32, #tpu.memory_space<hbm>> -> memref<2x1024xf32, #tpu.memory_space<hbm>>
        %dma_wait3A_256 = arith.constant 0 : i32
        %dma_wait3A_257 = arith.constant 0 : i32
        %dma_wait3A_258 = tpu.memref_slice %arg4[%dma_wait3A_256, %dma_wait3A_257] : memref<16384x1024xf32, #tpu.memory_space<hbm>> -> memref<2x1024xf32, #tpu.memory_space<hbm>>
        tpu.wait_dma2 semaphore(%arg27 : memref<!tpu.dma_semaphore, #tpu.memory_space<semaphore_mem>>) src(%arg13 : memref<2x1024xf32, #tpu.memory_space<vmem>>) dst(%dma_wait3A_258 : memref<2x1024xf32, #tpu.memory_space<hbm>>)
        %dma_wait3A_259 = arith.constant 0 : i32
        %dma_wait3A_260 = arith.constant 0 : i32
        %dma_wait3A_261 = tpu.memref_slice %arg4[%dma_wait3A_259, %dma_wait3A_260] : memref<16384x1024xf32, #tpu.memory_space<hbm>> -> memref<2x1024xf32, #tpu.memory_space<hbm>>
        %dma_wait3A_262 = arith.constant 0 : i32
        %dma_wait3A_263 = arith.constant 0 : i32
        %dma_wait3A_264 = tpu.memref_slice %arg4[%dma_wait3A_262, %dma_wait3A_263] : memref<16384x1024xf32, #tpu.memory_space<hbm>> -> memref<2x1024xf32, #tpu.memory_space<hbm>>
        tpu.wait_dma2 semaphore(%arg27 : memref<!tpu.dma_semaphore, #tpu.memory_space<semaphore_mem>>) src(%arg13 : memref<2x1024xf32, #tpu.memory_space<vmem>>) dst(%dma_wait3A_264 : memref<2x1024xf32, #tpu.memory_space<hbm>>)
      } else {
      }
      %scan3A_130 = arith.constant 0 : i32
      %scan3A_131 = arith.constant 0 : i32
      %scan3A_132 = arith.constant 64 : i32
      %scan3A_133 = arith.addi %scan3A_131, %scan3A_132 : i32
      %scan3A_134 = arith.constant 1 : i32
      scf.for %scan3A_241 = %scan3A_131 to %scan3A_133 step %scan3A_134  : i32 {
        %mul3A_242 = arith.constant 16 : i32
        %mul3A_243 = arith.muli %scan3A_241, %mul3A_242 : i32
        %get3A = arith.constant 0 : i32
        %get3A_244 = arith.index_cast %get3A : i32 to index
        %get3A_245 = arith.index_cast %mul3A_243 : i32 to index
        %get3A_246 = tpu.vector_load %arg21[%get3A_244, %get3A_245] {strides = array<i32>} : memref<2x1024xf32, #tpu.memory_space<vmem>>, vector<1x16xf32>,
        %get3A_247 = vector.shape_cast %get3A_246 : vector<1x16xf32> to vector<16xf32>
        %get3A_248 = arith.constant 0 : i32
        %get3A_249 = arith.index_cast %get3A_248 : i32 to index
        %get3A_250 = arith.index_cast %mul3A_243 : i32 to index
        %get3A_251 = tpu.vector_load %arg5[%get3A_249, %get3A_250] {strides = array<i32>} : memref<2x1024xf32, #tpu.memory_space<vmem>>, vector<1x16xf32>,
        %get3A_252 = vector.shape_cast %get3A_251 : vector<1x16xf32> to vector<16xf32>
        %add3A_253 = arith.addf %get3A_252, %get3A_247 : vector<16xf32>
        %swap3A = arith.constant 0 : i32
        %swap3A_254 = arith.index_cast %swap3A : i32 to index
        %swap3A_255 = arith.index_cast %mul3A_243 : i32 to index
        %swap3A_256 = tpu.vector_load %arg13[%swap3A_254, %swap3A_255] {strides = array<i32>} : memref<2x1024xf32, #tpu.memory_space<vmem>>, vector<1x16xf32>,
        %swap3A_257 = vector.shape_cast %swap3A_256 : vector<1x16xf32> to vector<16xf32>
        %swap3A_258 = vector.shape_cast %add3A_253 : vector<16xf32> to vector<1x16xf32>
        tpu.vector_store %arg13[%swap3A_254, %swap3A_255], %swap3A_258 {strides = array<i32>} : memref<2x1024xf32, #tpu.memory_space<vmem>>, vector<1x16xf32>,
        %get3A_259 = arith.constant 0 : i32
        %get3A_260 = arith.index_cast %get3A_259 : i32 to index
        %get3A_261 = arith.index_cast %mul3A_243 : i32 to index
        %get3A_262 = tpu.vector_load %arg6[%get3A_260, %get3A_261] {strides = array<i32>} : memref<2x1024xf32, #tpu.memory_space<vmem>>, vector<1x16xf32>,
        %get3A_263 = vector.shape_cast %get3A_262 : vector<1x16xf32> to vector<16xf32>
        %add3A_264 = arith.addf %get3A_263, %get3A_247 : vector<16xf32>
        %swap3A_265 = arith.constant 0 : i32
        %swap3A_266 = arith.index_cast %swap3A_265 : i32 to index
        %swap3A_267 = arith.index_cast %mul3A_243 : i32 to index
        %swap3A_268 = tpu.vector_load %arg14[%swap3A_266, %swap3A_267] {strides = array<i32>} : memref<2x1024xf32, #tpu.memory_space<vmem>>, vector<1x16xf32>,
        %swap3A_269 = vector.shape_cast %swap3A_268 : vector<1x16xf32> to vector<16xf32>
        %swap3A_270 = vector.shape_cast %add3A_264 : vector<16xf32> to vector<1x16xf32>
        tpu.vector_store %arg14[%swap3A_266, %swap3A_267], %swap3A_270 {strides = array<i32>} : memref<2x1024xf32, #tpu.memory_space<vmem>>, vector<1x16xf32>,
        %get3A_271 = arith.constant 0 : i32
        %get3A_272 = arith.index_cast %get3A_271 : i32 to index
        %get3A_273 = arith.index_cast %mul3A_243 : i32 to index
        %get3A_274 = tpu.vector_load %arg7[%get3A_272, %get3A_273] {strides = array<i32>} : memref<2x1024xf32, #tpu.memory_space<vmem>>, vector<1x16xf32>,
        %get3A_275 = vector.shape_cast %get3A_274 : vector<1x16xf32> to vector<16xf32>
        %add3A_276 = arith.addf %get3A_275, %get3A_247 : vector<16xf32>
        %swap3A_277 = arith.constant 0 : i32
        %swap3A_278 = arith.index_cast %swap3A_277 : i32 to index
        %swap3A_279 = arith.index_cast %mul3A_243 : i32 to index
        %swap3A_280 = tpu.vector_load %arg15[%swap3A_278, %swap3A_279] {strides = array<i32>} : memref<2x1024xf32, #tpu.memory_space<vmem>>, vector<1x16xf32>,
        %swap3A_281 = vector.shape_cast %swap3A_280 : vector<1x16xf32> to vector<16xf32>
        %swap3A_282 = vector.shape_cast %add3A_276 : vector<16xf32> to vector<1x16xf32>
        tpu.vector_store %arg15[%swap3A_278, %swap3A_279], %swap3A_282 {strides = array<i32>} : memref<2x1024xf32, #tpu.memory_space<vmem>>, vector<1x16xf32>,
        %get3A_283 = arith.constant 0 : i32
        %get3A_284 = arith.index_cast %get3A_283 : i32 to index
        %get3A_285 = arith.index_cast %mul3A_243 : i32 to index
        %get3A_286 = tpu.vector_load %arg8[%get3A_284, %get3A_285] {strides = array<i32>} : memref<2x1024xf32, #tpu.memory_space<vmem>>, vector<1x16xf32>,
        %get3A_287 = vector.shape_cast %get3A_286 : vector<1x16xf32> to vector<16xf32>
        %add3A_288 = arith.addf %get3A_287, %get3A_247 : vector<16xf32>
        %swap3A_289 = arith.constant 0 : i32
        %swap3A_290 = arith.index_cast %swap3A_289 : i32 to index
        %swap3A_291 = arith.index_cast %mul3A_243 : i32 to index
        %swap3A_292 = tpu.vector_load %arg16[%swap3A_290, %swap3A_291] {strides = array<i32>} : memref<2x1024xf32, #tpu.memory_space<vmem>>, vector<1x16xf32>,
        %swap3A_293 = vector.shape_cast %swap3A_292 : vector<1x16xf32> to vector<16xf32>
        %swap3A_294 = vector.shape_cast %add3A_288 : vector<16xf32> to vector<1x16xf32>
        tpu.vector_store %arg16[%swap3A_290, %swap3A_291], %swap3A_294 {strides = array<i32>} : memref<2x1024xf32, #tpu.memory_space<vmem>>, vector<1x16xf32>,
        %get3A_295 = arith.constant 1 : i32
        %get3A_296 = arith.index_cast %get3A_295 : i32 to index
        %get3A_297 = arith.index_cast %mul3A_243 : i32 to index
        %get3A_298 = tpu.vector_load %arg21[%get3A_296, %get3A_297] {strides = array<i32>} : memref<2x1024xf32, #tpu.memory_space<vmem>>, vector<1x16xf32>,
        %get3A_299 = vector.shape_cast %get3A_298 : vector<1x16xf32> to vector<16xf32>
        %get3A_300 = arith.constant 1 : i32
        %get3A_301 = arith.index_cast %get3A_300 : i32 to index
        %get3A_302 = arith.index_cast %mul3A_243 : i32 to index
        %get3A_303 = tpu.vector_load %arg5[%get3A_301, %get3A_302] {strides = array<i32>} : memref<2x1024xf32, #tpu.memory_space<vmem>>, vector<1x16xf32>,
        %get3A_304 = vector.shape_cast %get3A_303 : vector<1x16xf32> to vector<16xf32>
        %add3A_305 = arith.addf %get3A_304, %get3A_299 : vector<16xf32>
        %swap3A_306 = arith.constant 1 : i32
        %swap3A_307 = arith.index_cast %swap3A_306 : i32 to index
        %swap3A_308 = arith.index_cast %mul3A_243 : i32 to index
        %swap3A_309 = tpu.vector_load %arg13[%swap3A_307, %swap3A_308] {strides = array<i32>} : memref<2x1024xf32, #tpu.memory_space<vmem>>, vector<1x16xf32>,
        %swap3A_310 = vector.shape_cast %swap3A_309 : vector<1x16xf32> to vector<16xf32>
        %swap3A_311 = vector.shape_cast %add3A_305 : vector<16xf32> to vector<1x16xf32>
        tpu.vector_store %arg13[%swap3A_307, %swap3A_308], %swap3A_311 {strides = array<i32>} : memref<2x1024xf32, #tpu.memory_space<vmem>>, vector<1x16xf32>,
        %get3A_312 = arith.constant 1 : i32
        %get3A_313 = arith.index_cast %get3A_312 : i32 to index
        %get3A_314 = arith.index_cast %mul3A_243 : i32 to index
        %get3A_315 = tpu.vector_load %arg6[%get3A_313, %get3A_314] {strides = array<i32>} : memref<2x1024xf32, #tpu.memory_space<vmem>>, vector<1x16xf32>,
        %get3A_316 = vector.shape_cast %get3A_315 : vector<1x16xf32> to vector<16xf32>
        %add3A_317 = arith.addf %get3A_316, %get3A_299 : vector<16xf32>
        %swap3A_318 = arith.constant 1 : i32
        %swap3A_319 = arith.index_cast %swap3A_318 : i32 to index
        %swap3A_320 = arith.index_cast %mul3A_243 : i32 to index
        %swap3A_321 = tpu.vector_load %arg14[%swap3A_319, %swap3A_320] {strides = array<i32>} : memref<2x1024xf32, #tpu.memory_space<vmem>>, vector<1x16xf32>,
        %swap3A_322 = vector.shape_cast %swap3A_321 : vector<1x16xf32> to vector<16xf32>
        %swap3A_323 = vector.shape_cast %add3A_317 : vector<16xf32> to vector<1x16xf32>
        tpu.vector_store %arg14[%swap3A_319, %swap3A_320], %swap3A_323 {strides = array<i32>} : memref<2x1024xf32, #tpu.memory_space<vmem>>, vector<1x16xf32>,
        %get3A_324 = arith.constant 1 : i32
        %get3A_325 = arith.index_cast %get3A_324 : i32 to index
        %get3A_326 = arith.index_cast %mul3A_243 : i32 to index
        %get3A_327 = tpu.vector_load %arg7[%get3A_325, %get3A_326] {strides = array<i32>} : memref<2x1024xf32, #tpu.memory_space<vmem>>, vector<1x16xf32>,
        %get3A_328 = vector.shape_cast %get3A_327 : vector<1x16xf32> to vector<16xf32>
        %add3A_329 = arith.addf %get3A_328, %get3A_299 : vector<16xf32>
        %swap3A_330 = arith.constant 1 : i32
        %swap3A_331 = arith.index_cast %swap3A_330 : i32 to index
        %swap3A_332 = arith.index_cast %mul3A_243 : i32 to index
        %swap3A_333 = tpu.vector_load %arg15[%swap3A_331, %swap3A_332] {strides = array<i32>} : memref<2x1024xf32, #tpu.memory_space<vmem>>, vector<1x16xf32>,
        %swap3A_334 = vector.shape_cast %swap3A_333 : vector<1x16xf32> to vector<16xf32>
        %swap3A_335 = vector.shape_cast %add3A_329 : vector<16xf32> to vector<1x16xf32>
        tpu.vector_store %arg15[%swap3A_331, %swap3A_332], %swap3A_335 {strides = array<i32>} : memref<2x1024xf32, #tpu.memory_space<vmem>>, vector<1x16xf32>,
        %get3A_336 = arith.constant 1 : i32
        %get3A_337 = arith.index_cast %get3A_336 : i32 to index
        %get3A_338 = arith.index_cast %mul3A_243 : i32 to index
        %get3A_339 = tpu.vector_load %arg8[%get3A_337, %get3A_338] {strides = array<i32>} : memref<2x1024xf32, #tpu.memory_space<vmem>>, vector<1x16xf32>,
        %get3A_340 = vector.shape_cast %get3A_339 : vector<1x16xf32> to vector<16xf32>
        %add3A_341 = arith.addf %get3A_340, %get3A_299 : vector<16xf32>
        %swap3A_342 = arith.constant 1 : i32
        %swap3A_343 = arith.index_cast %swap3A_342 : i32 to index
        %swap3A_344 = arith.index_cast %mul3A_243 : i32 to index
        %swap3A_345 = tpu.vector_load %arg16[%swap3A_343, %swap3A_344] {strides = array<i32>} : memref<2x1024xf32, #tpu.memory_space<vmem>>, vector<1x16xf32>,
        %swap3A_346 = vector.shape_cast %swap3A_345 : vector<1x16xf32> to vector<16xf32>
        %swap3A_347 = vector.shape_cast %add3A_341 : vector<16xf32> to vector<1x16xf32>
        tpu.vector_store %arg16[%swap3A_343, %swap3A_344], %swap3A_347 {strides = array<i32>} : memref<2x1024xf32, #tpu.memory_space<vmem>>, vector<1x16xf32>,
      }
      %scan3A_135 = arith.constant 64 : i32
      %add3A_136 = arith.constant 0 : i32
      %add3A_137 = arith.addi %add3A_136, %add3A_89 : i32
      %dma_start3A_138 = arith.constant 0 : i32
      %dma_start3A_139 = tpu.memref_slice %arg4[%add3A_137, %dma_start3A_138] : memref<16384x1024xf32, #tpu.memory_space<hbm>> -> memref<2x1024xf32, #tpu.memory_space<hbm>>
      %dma_start3A_140 = arith.constant 0 : i32
      %dma_start3A_141 = tpu.memref_slice %arg4[%add3A_137, %dma_start3A_140] : memref<16384x1024xf32, #tpu.memory_space<hbm>> -> memref<2x1024xf32, #tpu.memory_space<hbm>>
      tpu.enqueue_dma source(%arg13 : memref<2x1024xf32, #tpu.memory_space<vmem>>) target(%dma_start3A_141 : memref<2x1024xf32, #tpu.memory_space<hbm>>) target_semaphore(%arg27 : memref<!tpu.dma_semaphore, #tpu.memory_space<semaphore_mem>>)
      %add3A_142 = arith.constant 4096 : i32
      %add3A_143 = arith.addi %add3A_142, %add3A_89 : i32
      %dma_start3A_144 = arith.constant 0 : i32
      %dma_start3A_145 = tpu.memref_slice %arg4[%add3A_143, %dma_start3A_144] : memref<16384x1024xf32, #tpu.memory_space<hbm>> -> memref<2x1024xf32, #tpu.memory_space<hbm>>
      %dma_start3A_146 = arith.constant 0 : i32
      %dma_start3A_147 = tpu.memref_slice %arg4[%add3A_143, %dma_start3A_146] : memref<16384x1024xf32, #tpu.memory_space<hbm>> -> memref<2x1024xf32, #tpu.memory_space<hbm>>
      tpu.enqueue_dma source(%arg14 : memref<2x1024xf32, #tpu.memory_space<vmem>>) target(%dma_start3A_147 : memref<2x1024xf32, #tpu.memory_space<hbm>>) target_semaphore(%arg27 : memref<!tpu.dma_semaphore, #tpu.memory_space<semaphore_mem>>)
      %add3A_148 = arith.constant 8192 : i32
      %add3A_149 = arith.addi %add3A_148, %add3A_89 : i32
      %dma_start3A_150 = arith.constant 0 : i32
      %dma_start3A_151 = tpu.memref_slice %arg4[%add3A_149, %dma_start3A_150] : memref<16384x1024xf32, #tpu.memory_space<hbm>> -> memref<2x1024xf32, #tpu.memory_space<hbm>>
      %dma_start3A_152 = arith.constant 0 : i32
      %dma_start3A_153 = tpu.memref_slice %arg4[%add3A_149, %dma_start3A_152] : memref<16384x1024xf32, #tpu.memory_space<hbm>> -> memref<2x1024xf32, #tpu.memory_space<hbm>>
      tpu.enqueue_dma source(%arg15 : memref<2x1024xf32, #tpu.memory_space<vmem>>) target(%dma_start3A_153 : memref<2x1024xf32, #tpu.memory_space<hbm>>) target_semaphore(%arg27 : memref<!tpu.dma_semaphore, #tpu.memory_space<semaphore_mem>>)
      %add3A_154 = arith.constant 12288 : i32
      %add3A_155 = arith.addi %add3A_154, %add3A_89 : i32
      %dma_start3A_156 = arith.constant 0 : i32
      %dma_start3A_157 = tpu.memref_slice %arg4[%add3A_155, %dma_start3A_156] : memref<16384x1024xf32, #tpu.memory_space<hbm>> -> memref<2x1024xf32, #tpu.memory_space<hbm>>
      %dma_start3A_158 = arith.constant 0 : i32
      %dma_start3A_159 = tpu.memref_slice %arg4[%add3A_155, %dma_start3A_158] : memref<16384x1024xf32, #tpu.memory_space<hbm>> -> memref<2x1024xf32, #tpu.memory_space<hbm>>
      tpu.enqueue_dma source(%arg16 : memref<2x1024xf32, #tpu.memory_space<vmem>>) target(%dma_start3A_159 : memref<2x1024xf32, #tpu.memory_space<hbm>>) target_semaphore(%arg27 : memref<!tpu.dma_semaphore, #tpu.memory_space<semaphore_mem>>)
      %mul3A_160 = arith.constant 2 : i32
      %mul3A_161 = arith.muli %scan3A_82, %mul3A_160 : i32
      %add3A_162 = arith.constant 1 : i32
      %add3A_163 = arith.addi %mul3A_161, %add3A_162 : i32
      %mul3A_164 = arith.constant 2 : i32
      %mul3A_165 = arith.muli %add3A_163, %mul3A_164 : i32
      %add3A_166 = arith.addi %mul3A_2, %mul3A_165 : i32
      %add3A_167 = arith.constant 2 : i32
      %add3A_168 = arith.addi %add3A_166, %add3A_167 : i32
      %add3A_169 = arith.constant 1 : i32
      %add3A_170 = arith.addi %add3A_163, %add3A_169 : i32
      %lt3A_171 = arith.constant 64 : i32
      %lt3A_172 = arith.cmpi slt, %add3A_170, %lt3A_171 : i32
      %convert_element_type3A_173 = arith.extui %lt3A_172 : i1 to i32
      %cond3A_174 = arith.constant 0 : i32
      %cond3A_175 = arith.cmpi ne, %convert_element_type3A_173, %cond3A_174 : i32
      scf.if %cond3A_175 {
        %add3A_241 = arith.constant 0 : i32
        %add3A_242 = arith.addi %add3A_241, %add3A_168 : i32
        %dma_start3A_243 = arith.constant 0 : i32
        %dma_start3A_244 = tpu.memref_slice %arg2[%add3A_242, %dma_start3A_243] : memref<16384x1024xf32, #tpu.memory_space<hbm>> -> memref<2x1024xf32, #tpu.memory_space<hbm>>
        %dma_start3A_245 = arith.constant 0 : i32
        %dma_start3A_246 = tpu.memref_slice %arg2[%add3A_242, %dma_start3A_245] : memref<16384x1024xf32, #tpu.memory_space<hbm>> -> memref<2x1024xf32, #tpu.memory_space<hbm>>
        tpu.enqueue_dma source(%dma_start3A_246 : memref<2x1024xf32, #tpu.memory_space<hbm>>) target(%arg5 : memref<2x1024xf32, #tpu.memory_space<vmem>>) target_semaphore(%arg23 : memref<!tpu.dma_semaphore, #tpu.memory_space<semaphore_mem>>)
        %add3A_247 = arith.constant 4096 : i32
        %add3A_248 = arith.addi %add3A_247, %add3A_168 : i32
        %dma_start3A_249 = arith.constant 0 : i32
        %dma_start3A_250 = tpu.memref_slice %arg2[%add3A_248, %dma_start3A_249] : memref<16384x1024xf32, #tpu.memory_space<hbm>> -> memref<2x1024xf32, #tpu.memory_space<hbm>>
        %dma_start3A_251 = arith.constant 0 : i32
        %dma_start3A_252 = tpu.memref_slice %arg2[%add3A_248, %dma_start3A_251] : memref<16384x1024xf32, #tpu.memory_space<hbm>> -> memref<2x1024xf32, #tpu.memory_space<hbm>>
        tpu.enqueue_dma source(%dma_start3A_252 : memref<2x1024xf32, #tpu.memory_space<hbm>>) target(%arg6 : memref<2x1024xf32, #tpu.memory_space<vmem>>) target_semaphore(%arg23 : memref<!tpu.dma_semaphore, #tpu.memory_space<semaphore_mem>>)
        %add3A_253 = arith.constant 8192 : i32
        %add3A_254 = arith.addi %add3A_253, %add3A_168 : i32
        %dma_start3A_255 = arith.constant 0 : i32
        %dma_start3A_256 = tpu.memref_slice %arg2[%add3A_254, %dma_start3A_255] : memref<16384x1024xf32, #tpu.memory_space<hbm>> -> memref<2x1024xf32, #tpu.memory_space<hbm>>
        %dma_start3A_257 = arith.constant 0 : i32
        %dma_start3A_258 = tpu.memref_slice %arg2[%add3A_254, %dma_start3A_257] : memref<16384x1024xf32, #tpu.memory_space<hbm>> -> memref<2x1024xf32, #tpu.memory_space<hbm>>
        tpu.enqueue_dma source(%dma_start3A_258 : memref<2x1024xf32, #tpu.memory_space<hbm>>) target(%arg7 : memref<2x1024xf32, #tpu.memory_space<vmem>>) target_semaphore(%arg23 : memref<!tpu.dma_semaphore, #tpu.memory_space<semaphore_mem>>)
        %add3A_259 = arith.constant 12288 : i32
        %add3A_260 = arith.addi %add3A_259, %add3A_168 : i32
        %dma_start3A_261 = arith.constant 0 : i32
        %dma_start3A_262 = tpu.memref_slice %arg2[%add3A_260, %dma_start3A_261] : memref<16384x1024xf32, #tpu.memory_space<hbm>> -> memref<2x1024xf32, #tpu.memory_space<hbm>>
        %dma_start3A_263 = arith.constant 0 : i32
        %dma_start3A_264 = tpu.memref_slice %arg2[%add3A_260, %dma_start3A_263] : memref<16384x1024xf32, #tpu.memory_space<hbm>> -> memref<2x1024xf32, #tpu.memory_space<hbm>>
        tpu.enqueue_dma source(%dma_start3A_264 : memref<2x1024xf32, #tpu.memory_space<hbm>>) target(%arg8 : memref<2x1024xf32, #tpu.memory_space<vmem>>) target_semaphore(%arg23 : memref<!tpu.dma_semaphore, #tpu.memory_space<semaphore_mem>>)
        %dma_start3A_265 = arith.constant 0 : i32
        %dma_start3A_266 = tpu.memref_slice %arg3[%add3A_168, %dma_start3A_265] : memref<4096x1024xf32, #tpu.memory_space<hbm>> -> memref<2x1024xf32, #tpu.memory_space<hbm>>
        %dma_start3A_267 = arith.constant 0 : i32
        %dma_start3A_268 = tpu.memref_slice %arg3[%add3A_168, %dma_start3A_267] : memref<4096x1024xf32, #tpu.memory_space<hbm>> -> memref<2x1024xf32, #tpu.memory_space<hbm>>
        tpu.enqueue_dma source(%dma_start3A_268 : memref<2x1024xf32, #tpu.memory_space<hbm>>) target(%arg21 : memref<2x1024xf32, #tpu.memory_space<vmem>>) target_semaphore(%arg25 : memref<!tpu.dma_semaphore, #tpu.memory_space<semaphore_mem>>)
      } else {
      }
      %dma_wait3A_176 = arith.constant 0 : i32
      %dma_wait3A_177 = arith.constant 0 : i32
      %dma_wait3A_178 = tpu.memref_slice %arg2[%dma_wait3A_176, %dma_wait3A_177] : memref<16384x1024xf32, #tpu.memory_space<hbm>> -> memref<2x1024xf32, #tpu.memory_space<hbm>>
      %dma_wait3A_179 = arith.constant 0 : i32
      %dma_wait3A_180 = arith.constant 0 : i32
      %dma_wait3A_181 = tpu.memref_slice %arg2[%dma_wait3A_179, %dma_wait3A_180] : memref<16384x1024xf32, #tpu.memory_space<hbm>> -> memref<2x1024xf32, #tpu.memory_space<hbm>>
      tpu.wait_dma2 semaphore(%arg24 : memref<!tpu.dma_semaphore, #tpu.memory_space<semaphore_mem>>) src(%dma_wait3A_181 : memref<2x1024xf32, #tpu.memory_space<hbm>>) dst(%arg9 : memref<2x1024xf32, #tpu.memory_space<vmem>>)
      %dma_wait3A_182 = arith.constant 0 : i32
      %dma_wait3A_183 = arith.constant 0 : i32
      %dma_wait3A_184 = tpu.memref_slice %arg2[%dma_wait3A_182, %dma_wait3A_183] : memref<16384x1024xf32, #tpu.memory_space<hbm>> -> memref<2x1024xf32, #tpu.memory_space<hbm>>
      %dma_wait3A_185 = arith.constant 0 : i32
      %dma_wait3A_186 = arith.constant 0 : i32
      %dma_wait3A_187 = tpu.memref_slice %arg2[%dma_wait3A_185, %dma_wait3A_186] : memref<16384x1024xf32, #tpu.memory_space<hbm>> -> memref<2x1024xf32, #tpu.memory_space<hbm>>
      tpu.wait_dma2 semaphore(%arg24 : memref<!tpu.dma_semaphore, #tpu.memory_space<semaphore_mem>>) src(%dma_wait3A_187 : memref<2x1024xf32, #tpu.memory_space<hbm>>) dst(%arg9 : memref<2x1024xf32, #tpu.memory_space<vmem>>)
      %dma_wait3A_188 = arith.constant 0 : i32
      %dma_wait3A_189 = arith.constant 0 : i32
      %dma_wait3A_190 = tpu.memref_slice %arg2[%dma_wait3A_188, %dma_wait3A_189] : memref<16384x1024xf32, #tpu.memory_space<hbm>> -> memref<2x1024xf32, #tpu.memory_space<hbm>>
      %dma_wait3A_191 = arith.constant 0 : i32
      %dma_wait3A_192 = arith.constant 0 : i32
      %dma_wait3A_193 = tpu.memref_slice %arg2[%dma_wait3A_191, %dma_wait3A_192] : memref<16384x1024xf32, #tpu.memory_space<hbm>> -> memref<2x1024xf32, #tpu.memory_space<hbm>>
      tpu.wait_dma2 semaphore(%arg24 : memref<!tpu.dma_semaphore, #tpu.memory_space<semaphore_mem>>) src(%dma_wait3A_193 : memref<2x1024xf32, #tpu.memory_space<hbm>>) dst(%arg9 : memref<2x1024xf32, #tpu.memory_space<vmem>>)
      %dma_wait3A_194 = arith.constant 0 : i32
      %dma_wait3A_195 = arith.constant 0 : i32
      %dma_wait3A_196 = tpu.memref_slice %arg2[%dma_wait3A_194, %dma_wait3A_195] : memref<16384x1024xf32, #tpu.memory_space<hbm>> -> memref<2x1024xf32, #tpu.memory_space<hbm>>
      %dma_wait3A_197 = arith.constant 0 : i32
      %dma_wait3A_198 = arith.constant 0 : i32
      %dma_wait3A_199 = tpu.memref_slice %arg2[%dma_wait3A_197, %dma_wait3A_198] : memref<16384x1024xf32, #tpu.memory_space<hbm>> -> memref<2x1024xf32, #tpu.memory_space<hbm>>
      tpu.wait_dma2 semaphore(%arg24 : memref<!tpu.dma_semaphore, #tpu.memory_space<semaphore_mem>>) src(%dma_wait3A_199 : memref<2x1024xf32, #tpu.memory_space<hbm>>) dst(%arg9 : memref<2x1024xf32, #tpu.memory_space<vmem>>)
      %dma_wait3A_200 = arith.constant 0 : i32
      %dma_wait3A_201 = arith.constant 0 : i32
      %dma_wait3A_202 = tpu.memref_slice %arg3[%dma_wait3A_200, %dma_wait3A_201] : memref<4096x1024xf32, #tpu.memory_space<hbm>> -> memref<2x1024xf32, #tpu.memory_space<hbm>>
      %dma_wait3A_203 = arith.constant 0 : i32
      %dma_wait3A_204 = arith.constant 0 : i32
      %dma_wait3A_205 = tpu.memref_slice %arg3[%dma_wait3A_203, %dma_wait3A_204] : memref<4096x1024xf32, #tpu.memory_space<hbm>> -> memref<2x1024xf32, #tpu.memory_space<hbm>>
      tpu.wait_dma2 semaphore(%arg26 : memref<!tpu.dma_semaphore, #tpu.memory_space<semaphore_mem>>) src(%dma_wait3A_205 : memref<2x1024xf32, #tpu.memory_space<hbm>>) dst(%arg22 : memref<2x1024xf32, #tpu.memory_space<vmem>>)
      %ge3A_206 = arith.constant 2 : i32
      %ge3A_207 = arith.cmpi sge, %add3A_163, %ge3A_206 : i32
      %convert_element_type3A_208 = arith.extui %ge3A_207 : i1 to i32
      %cond3A_209 = arith.constant 0 : i32
      %cond3A_210 = arith.cmpi ne, %convert_element_type3A_208, %cond3A_209 : i32
      scf.if %cond3A_210 {
        %dma_wait3A_241 = arith.constant 0 : i32
        %dma_wait3A_242 = arith.constant 0 : i32
        %dma_wait3A_243 = tpu.memref_slice %arg4[%dma_wait3A_241, %dma_wait3A_242] : memref<16384x1024xf32, #tpu.memory_space<hbm>> -> memref<2x1024xf32, #tpu.memory_space<hbm>>
        %dma_wait3A_244 = arith.constant 0 : i32
        %dma_wait3A_245 = arith.constant 0 : i32
        %dma_wait3A_246 = tpu.memref_slice %arg4[%dma_wait3A_244, %dma_wait3A_245] : memref<16384x1024xf32, #tpu.memory_space<hbm>> -> memref<2x1024xf32, #tpu.memory_space<hbm>>
        tpu.wait_dma2 semaphore(%arg28 : memref<!tpu.dma_semaphore, #tpu.memory_space<semaphore_mem>>) src(%arg17 : memref<2x1024xf32, #tpu.memory_space<vmem>>) dst(%dma_wait3A_246 : memref<2x1024xf32, #tpu.memory_space<hbm>>)
        %dma_wait3A_247 = arith.constant 0 : i32
        %dma_wait3A_248 = arith.constant 0 : i32
        %dma_wait3A_249 = tpu.memref_slice %arg4[%dma_wait3A_247, %dma_wait3A_248] : memref<16384x1024xf32, #tpu.memory_space<hbm>> -> memref<2x1024xf32, #tpu.memory_space<hbm>>
        %dma_wait3A_250 = arith.constant 0 : i32
        %dma_wait3A_251 = arith.constant 0 : i32
        %dma_wait3A_252 = tpu.memref_slice %arg4[%dma_wait3A_250, %dma_wait3A_251] : memref<16384x1024xf32, #tpu.memory_space<hbm>> -> memref<2x1024xf32, #tpu.memory_space<hbm>>
        tpu.wait_dma2 semaphore(%arg28 : memref<!tpu.dma_semaphore, #tpu.memory_space<semaphore_mem>>) src(%arg17 : memref<2x1024xf32, #tpu.memory_space<vmem>>) dst(%dma_wait3A_252 : memref<2x1024xf32, #tpu.memory_space<hbm>>)
        %dma_wait3A_253 = arith.constant 0 : i32
        %dma_wait3A_254 = arith.constant 0 : i32
        %dma_wait3A_255 = tpu.memref_slice %arg4[%dma_wait3A_253, %dma_wait3A_254] : memref<16384x1024xf32, #tpu.memory_space<hbm>> -> memref<2x1024xf32, #tpu.memory_space<hbm>>
        %dma_wait3A_256 = arith.constant 0 : i32
        %dma_wait3A_257 = arith.constant 0 : i32
        %dma_wait3A_258 = tpu.memref_slice %arg4[%dma_wait3A_256, %dma_wait3A_257] : memref<16384x1024xf32, #tpu.memory_space<hbm>> -> memref<2x1024xf32, #tpu.memory_space<hbm>>
        tpu.wait_dma2 semaphore(%arg28 : memref<!tpu.dma_semaphore, #tpu.memory_space<semaphore_mem>>) src(%arg17 : memref<2x1024xf32, #tpu.memory_space<vmem>>) dst(%dma_wait3A_258 : memref<2x1024xf32, #tpu.memory_space<hbm>>)
        %dma_wait3A_259 = arith.constant 0 : i32
        %dma_wait3A_260 = arith.constant 0 : i32
        %dma_wait3A_261 = tpu.memref_slice %arg4[%dma_wait3A_259, %dma_wait3A_260] : memref<16384x1024xf32, #tpu.memory_space<hbm>> -> memref<2x1024xf32, #tpu.memory_space<hbm>>
        %dma_wait3A_262 = arith.constant 0 : i32
        %dma_wait3A_263 = arith.constant 0 : i32
        %dma_wait3A_264 = tpu.memref_slice %arg4[%dma_wait3A_262, %dma_wait3A_263] : memref<16384x1024xf32, #tpu.memory_space<hbm>> -> memref<2x1024xf32, #tpu.memory_space<hbm>>
        tpu.wait_dma2 semaphore(%arg28 : memref<!tpu.dma_semaphore, #tpu.memory_space<semaphore_mem>>) src(%arg17 : memref<2x1024xf32, #tpu.memory_space<vmem>>) dst(%dma_wait3A_264 : memref<2x1024xf32, #tpu.memory_space<hbm>>)
      } else {
      }
      %scan3A_211 = arith.constant 0 : i32
      %scan3A_212 = arith.constant 0 : i32
      %scan3A_213 = arith.constant 64 : i32
      %scan3A_214 = arith.addi %scan3A_212, %scan3A_213 : i32
      %scan3A_215 = arith.constant 1 : i32
      scf.for %scan3A_241 = %scan3A_212 to %scan3A_214 step %scan3A_215  : i32 {
        %mul3A_242 = arith.constant 16 : i32
        %mul3A_243 = arith.muli %scan3A_241, %mul3A_242 : i32
        %get3A = arith.constant 0 : i32
        %get3A_244 = arith.index_cast %get3A : i32 to index
        %get3A_245 = arith.index_cast %mul3A_243 : i32 to index
        %get3A_246 = tpu.vector_load %arg22[%get3A_244, %get3A_245] {strides = array<i32>} : memref<2x1024xf32, #tpu.memory_space<vmem>>, vector<1x16xf32>,
        %get3A_247 = vector.shape_cast %get3A_246 : vector<1x16xf32> to vector<16xf32>
        %get3A_248 = arith.constant 0 : i32
        %get3A_249 = arith.index_cast %get3A_248 : i32 to index
        %get3A_250 = arith.index_cast %mul3A_243 : i32 to index
        %get3A_251 = tpu.vector_load %arg9[%get3A_249, %get3A_250] {strides = array<i32>} : memref<2x1024xf32, #tpu.memory_space<vmem>>, vector<1x16xf32>,
        %get3A_252 = vector.shape_cast %get3A_251 : vector<1x16xf32> to vector<16xf32>
        %add3A_253 = arith.addf %get3A_252, %get3A_247 : vector<16xf32>
        %swap3A = arith.constant 0 : i32
        %swap3A_254 = arith.index_cast %swap3A : i32 to index
        %swap3A_255 = arith.index_cast %mul3A_243 : i32 to index
        %swap3A_256 = tpu.vector_load %arg17[%swap3A_254, %swap3A_255] {strides = array<i32>} : memref<2x1024xf32, #tpu.memory_space<vmem>>, vector<1x16xf32>,
        %swap3A_257 = vector.shape_cast %swap3A_256 : vector<1x16xf32> to vector<16xf32>
        %swap3A_258 = vector.shape_cast %add3A_253 : vector<16xf32> to vector<1x16xf32>
        tpu.vector_store %arg17[%swap3A_254, %swap3A_255], %swap3A_258 {strides = array<i32>} : memref<2x1024xf32, #tpu.memory_space<vmem>>, vector<1x16xf32>,
        %get3A_259 = arith.constant 0 : i32
        %get3A_260 = arith.index_cast %get3A_259 : i32 to index
        %get3A_261 = arith.index_cast %mul3A_243 : i32 to index
        %get3A_262 = tpu.vector_load %arg10[%get3A_260, %get3A_261] {strides = array<i32>} : memref<2x1024xf32, #tpu.memory_space<vmem>>, vector<1x16xf32>,
        %get3A_263 = vector.shape_cast %get3A_262 : vector<1x16xf32> to vector<16xf32>
        %add3A_264 = arith.addf %get3A_263, %get3A_247 : vector<16xf32>
        %swap3A_265 = arith.constant 0 : i32
        %swap3A_266 = arith.index_cast %swap3A_265 : i32 to index
        %swap3A_267 = arith.index_cast %mul3A_243 : i32 to index
        %swap3A_268 = tpu.vector_load %arg18[%swap3A_266, %swap3A_267] {strides = array<i32>} : memref<2x1024xf32, #tpu.memory_space<vmem>>, vector<1x16xf32>,
        %swap3A_269 = vector.shape_cast %swap3A_268 : vector<1x16xf32> to vector<16xf32>
        %swap3A_270 = vector.shape_cast %add3A_264 : vector<16xf32> to vector<1x16xf32>
        tpu.vector_store %arg18[%swap3A_266, %swap3A_267], %swap3A_270 {strides = array<i32>} : memref<2x1024xf32, #tpu.memory_space<vmem>>, vector<1x16xf32>,
        %get3A_271 = arith.constant 0 : i32
        %get3A_272 = arith.index_cast %get3A_271 : i32 to index
        %get3A_273 = arith.index_cast %mul3A_243 : i32 to index
        %get3A_274 = tpu.vector_load %arg11[%get3A_272, %get3A_273] {strides = array<i32>} : memref<2x1024xf32, #tpu.memory_space<vmem>>, vector<1x16xf32>,
        %get3A_275 = vector.shape_cast %get3A_274 : vector<1x16xf32> to vector<16xf32>
        %add3A_276 = arith.addf %get3A_275, %get3A_247 : vector<16xf32>
        %swap3A_277 = arith.constant 0 : i32
        %swap3A_278 = arith.index_cast %swap3A_277 : i32 to index
        %swap3A_279 = arith.index_cast %mul3A_243 : i32 to index
        %swap3A_280 = tpu.vector_load %arg19[%swap3A_278, %swap3A_279] {strides = array<i32>} : memref<2x1024xf32, #tpu.memory_space<vmem>>, vector<1x16xf32>,
        %swap3A_281 = vector.shape_cast %swap3A_280 : vector<1x16xf32> to vector<16xf32>
        %swap3A_282 = vector.shape_cast %add3A_276 : vector<16xf32> to vector<1x16xf32>
        tpu.vector_store %arg19[%swap3A_278, %swap3A_279], %swap3A_282 {strides = array<i32>} : memref<2x1024xf32, #tpu.memory_space<vmem>>, vector<1x16xf32>,
        %get3A_283 = arith.constant 0 : i32
        %get3A_284 = arith.index_cast %get3A_283 : i32 to index
        %get3A_285 = arith.index_cast %mul3A_243 : i32 to index
        %get3A_286 = tpu.vector_load %arg12[%get3A_284, %get3A_285] {strides = array<i32>} : memref<2x1024xf32, #tpu.memory_space<vmem>>, vector<1x16xf32>,
        %get3A_287 = vector.shape_cast %get3A_286 : vector<1x16xf32> to vector<16xf32>
        %add3A_288 = arith.addf %get3A_287, %get3A_247 : vector<16xf32>
        %swap3A_289 = arith.constant 0 : i32
        %swap3A_290 = arith.index_cast %swap3A_289 : i32 to index
        %swap3A_291 = arith.index_cast %mul3A_243 : i32 to index
        %swap3A_292 = tpu.vector_load %arg20[%swap3A_290, %swap3A_291] {strides = array<i32>} : memref<2x1024xf32, #tpu.memory_space<vmem>>, vector<1x16xf32>,
        %swap3A_293 = vector.shape_cast %swap3A_292 : vector<1x16xf32> to vector<16xf32>
        %swap3A_294 = vector.shape_cast %add3A_288 : vector<16xf32> to vector<1x16xf32>
        tpu.vector_store %arg20[%swap3A_290, %swap3A_291], %swap3A_294 {strides = array<i32>} : memref<2x1024xf32, #tpu.memory_space<vmem>>, vector<1x16xf32>,
        %get3A_295 = arith.constant 1 : i32
        %get3A_296 = arith.index_cast %get3A_295 : i32 to index
        %get3A_297 = arith.index_cast %mul3A_243 : i32 to index
        %get3A_298 = tpu.vector_load %arg22[%get3A_296, %get3A_297] {strides = array<i32>} : memref<2x1024xf32, #tpu.memory_space<vmem>>, vector<1x16xf32>,
        %get3A_299 = vector.shape_cast %get3A_298 : vector<1x16xf32> to vector<16xf32>
        %get3A_300 = arith.constant 1 : i32
        %get3A_301 = arith.index_cast %get3A_300 : i32 to index
        %get3A_302 = arith.index_cast %mul3A_243 : i32 to index
        %get3A_303 = tpu.vector_load %arg9[%get3A_301, %get3A_302] {strides = array<i32>} : memref<2x1024xf32, #tpu.memory_space<vmem>>, vector<1x16xf32>,
        %get3A_304 = vector.shape_cast %get3A_303 : vector<1x16xf32> to vector<16xf32>
        %add3A_305 = arith.addf %get3A_304, %get3A_299 : vector<16xf32>
        %swap3A_306 = arith.constant 1 : i32
        %swap3A_307 = arith.index_cast %swap3A_306 : i32 to index
        %swap3A_308 = arith.index_cast %mul3A_243 : i32 to index
        %swap3A_309 = tpu.vector_load %arg17[%swap3A_307, %swap3A_308] {strides = array<i32>} : memref<2x1024xf32, #tpu.memory_space<vmem>>, vector<1x16xf32>,
        %swap3A_310 = vector.shape_cast %swap3A_309 : vector<1x16xf32> to vector<16xf32>
        %swap3A_311 = vector.shape_cast %add3A_305 : vector<16xf32> to vector<1x16xf32>
        tpu.vector_store %arg17[%swap3A_307, %swap3A_308], %swap3A_311 {strides = array<i32>} : memref<2x1024xf32, #tpu.memory_space<vmem>>, vector<1x16xf32>,
        %get3A_312 = arith.constant 1 : i32
        %get3A_313 = arith.index_cast %get3A_312 : i32 to index
        %get3A_314 = arith.index_cast %mul3A_243 : i32 to index
        %get3A_315 = tpu.vector_load %arg10[%get3A_313, %get3A_314] {strides = array<i32>} : memref<2x1024xf32, #tpu.memory_space<vmem>>, vector<1x16xf32>,
        %get3A_316 = vector.shape_cast %get3A_315 : vector<1x16xf32> to vector<16xf32>
        %add3A_317 = arith.addf %get3A_316, %get3A_299 : vector<16xf32>
        %swap3A_318 = arith.constant 1 : i32
        %swap3A_319 = arith.index_cast %swap3A_318 : i32 to index
        %swap3A_320 = arith.index_cast %mul3A_243 : i32 to index
        %swap3A_321 = tpu.vector_load %arg18[%swap3A_319, %swap3A_320] {strides = array<i32>} : memref<2x1024xf32, #tpu.memory_space<vmem>>, vector<1x16xf32>,
        %swap3A_322 = vector.shape_cast %swap3A_321 : vector<1x16xf32> to vector<16xf32>
        %swap3A_323 = vector.shape_cast %add3A_317 : vector<16xf32> to vector<1x16xf32>
        tpu.vector_store %arg18[%swap3A_319, %swap3A_320], %swap3A_323 {strides = array<i32>} : memref<2x1024xf32, #tpu.memory_space<vmem>>, vector<1x16xf32>,
        %get3A_324 = arith.constant 1 : i32
        %get3A_325 = arith.index_cast %get3A_324 : i32 to index
        %get3A_326 = arith.index_cast %mul3A_243 : i32 to index
        %get3A_327 = tpu.vector_load %arg11[%get3A_325, %get3A_326] {strides = array<i32>} : memref<2x1024xf32, #tpu.memory_space<vmem>>, vector<1x16xf32>,
        %get3A_328 = vector.shape_cast %get3A_327 : vector<1x16xf32> to vector<16xf32>
        %add3A_329 = arith.addf %get3A_328, %get3A_299 : vector<16xf32>
        %swap3A_330 = arith.constant 1 : i32
        %swap3A_331 = arith.index_cast %swap3A_330 : i32 to index
        %swap3A_332 = arith.index_cast %mul3A_243 : i32 to index
        %swap3A_333 = tpu.vector_load %arg19[%swap3A_331, %swap3A_332] {strides = array<i32>} : memref<2x1024xf32, #tpu.memory_space<vmem>>, vector<1x16xf32>,
        %swap3A_334 = vector.shape_cast %swap3A_333 : vector<1x16xf32> to vector<16xf32>
        %swap3A_335 = vector.shape_cast %add3A_329 : vector<16xf32> to vector<1x16xf32>
        tpu.vector_store %arg19[%swap3A_331, %swap3A_332], %swap3A_335 {strides = array<i32>} : memref<2x1024xf32, #tpu.memory_space<vmem>>, vector<1x16xf32>,
        %get3A_336 = arith.constant 1 : i32
        %get3A_337 = arith.index_cast %get3A_336 : i32 to index
        %get3A_338 = arith.index_cast %mul3A_243 : i32 to index
        %get3A_339 = tpu.vector_load %arg12[%get3A_337, %get3A_338] {strides = array<i32>} : memref<2x1024xf32, #tpu.memory_space<vmem>>, vector<1x16xf32>,
        %get3A_340 = vector.shape_cast %get3A_339 : vector<1x16xf32> to vector<16xf32>
        %add3A_341 = arith.addf %get3A_340, %get3A_299 : vector<16xf32>
        %swap3A_342 = arith.constant 1 : i32
        %swap3A_343 = arith.index_cast %swap3A_342 : i32 to index
        %swap3A_344 = arith.index_cast %mul3A_243 : i32 to index
        %swap3A_345 = tpu.vector_load %arg20[%swap3A_343, %swap3A_344] {strides = array<i32>} : memref<2x1024xf32, #tpu.memory_space<vmem>>, vector<1x16xf32>,
        %swap3A_346 = vector.shape_cast %swap3A_345 : vector<1x16xf32> to vector<16xf32>
        %swap3A_347 = vector.shape_cast %add3A_341 : vector<16xf32> to vector<1x16xf32>
        tpu.vector_store %arg20[%swap3A_343, %swap3A_344], %swap3A_347 {strides = array<i32>} : memref<2x1024xf32, #tpu.memory_space<vmem>>, vector<1x16xf32>,
      }
      %scan3A_216 = arith.constant 64 : i32
      %add3A_217 = arith.constant 0 : i32
      %add3A_218 = arith.addi %add3A_217, %add3A_166 : i32
      %dma_start3A_219 = arith.constant 0 : i32
      %dma_start3A_220 = tpu.memref_slice %arg4[%add3A_218, %dma_start3A_219] : memref<16384x1024xf32, #tpu.memory_space<hbm>> -> memref<2x1024xf32, #tpu.memory_space<hbm>>
      %dma_start3A_221 = arith.constant 0 : i32
      %dma_start3A_222 = tpu.memref_slice %arg4[%add3A_218, %dma_start3A_221] : memref<16384x1024xf32, #tpu.memory_space<hbm>> -> memref<2x1024xf32, #tpu.memory_space<hbm>>
      tpu.enqueue_dma source(%arg17 : memref<2x1024xf32, #tpu.memory_space<vmem>>) target(%dma_start3A_222 : memref<2x1024xf32, #tpu.memory_space<hbm>>) target_semaphore(%arg28 : memref<!tpu.dma_semaphore, #tpu.memory_space<semaphore_mem>>)
      %add3A_223 = arith.constant 4096 : i32
      %add3A_224 = arith.addi %add3A_223, %add3A_166 : i32
      %dma_start3A_225 = arith.constant 0 : i32
      %dma_start3A_226 = tpu.memref_slice %arg4[%add3A_224, %dma_start3A_225] : memref<16384x1024xf32, #tpu.memory_space<hbm>> -> memref<2x1024xf32, #tpu.memory_space<hbm>>
      %dma_start3A_227 = arith.constant 0 : i32
      %dma_start3A_228 = tpu.memref_slice %arg4[%add3A_224, %dma_start3A_227] : memref<16384x1024xf32, #tpu.memory_space<hbm>> -> memref<2x1024xf32, #tpu.memory_space<hbm>>
      tpu.enqueue_dma source(%arg18 : memref<2x1024xf32, #tpu.memory_space<vmem>>) target(%dma_start3A_228 : memref<2x1024xf32, #tpu.memory_space<hbm>>) target_semaphore(%arg28 : memref<!tpu.dma_semaphore, #tpu.memory_space<semaphore_mem>>)
      %add3A_229 = arith.constant 8192 : i32
      %add3A_230 = arith.addi %add3A_229, %add3A_166 : i32
      %dma_start3A_231 = arith.constant 0 : i32
      %dma_start3A_232 = tpu.memref_slice %arg4[%add3A_230, %dma_start3A_231] : memref<16384x1024xf32, #tpu.memory_space<hbm>> -> memref<2x1024xf32, #tpu.memory_space<hbm>>
      %dma_start3A_233 = arith.constant 0 : i32
      %dma_start3A_234 = tpu.memref_slice %arg4[%add3A_230, %dma_start3A_233] : memref<16384x1024xf32, #tpu.memory_space<hbm>> -> memref<2x1024xf32, #tpu.memory_space<hbm>>
      tpu.enqueue_dma source(%arg19 : memref<2x1024xf32, #tpu.memory_space<vmem>>) target(%dma_start3A_234 : memref<2x1024xf32, #tpu.memory_space<hbm>>) target_semaphore(%arg28 : memref<!tpu.dma_semaphore, #tpu.memory_space<semaphore_mem>>)
      %add3A_235 = arith.constant 12288 : i32
      %add3A_236 = arith.addi %add3A_235, %add3A_166 : i32
      %dma_start3A_237 = arith.constant 0 : i32
      %dma_start3A_238 = tpu.memref_slice %arg4[%add3A_236, %dma_start3A_237] : memref<16384x1024xf32, #tpu.memory_space<hbm>> -> memref<2x1024xf32, #tpu.memory_space<hbm>>
      %dma_start3A_239 = arith.constant 0 : i32
      %dma_start3A_240 = tpu.memref_slice %arg4[%add3A_236, %dma_start3A_239] : memref<16384x1024xf32, #tpu.memory_space<hbm>> -> memref<2x1024xf32, #tpu.memory_space<hbm>>
      tpu.enqueue_dma source(%arg20 : memref<2x1024xf32, #tpu.memory_space<vmem>>) target(%dma_start3A_240 : memref<2x1024xf32, #tpu.memory_space<hbm>>) target_semaphore(%arg28 : memref<!tpu.dma_semaphore, #tpu.memory_space<semaphore_mem>>)
    }
    %scan3A_34 = arith.constant 32 : i32
    %dma_wait3A = arith.constant 0 : i32
    %dma_wait3A_35 = arith.constant 0 : i32
    %dma_wait3A_36 = tpu.memref_slice %arg4[%dma_wait3A, %dma_wait3A_35] : memref<16384x1024xf32, #tpu.memory_space<hbm>> -> memref<2x1024xf32, #tpu.memory_space<hbm>>
    %dma_wait3A_37 = arith.constant 0 : i32
    %dma_wait3A_38 = arith.constant 0 : i32
    %dma_wait3A_39 = tpu.memref_slice %arg4[%dma_wait3A_37, %dma_wait3A_38] : memref<16384x1024xf32, #tpu.memory_space<hbm>> -> memref<2x1024xf32, #tpu.memory_space<hbm>>
    tpu.wait_dma2 semaphore(%arg27 : memref<!tpu.dma_semaphore, #tpu.memory_space<semaphore_mem>>) src(%arg13 : memref<2x1024xf32, #tpu.memory_space<vmem>>) dst(%dma_wait3A_39 : memref<2x1024xf32, #tpu.memory_space<hbm>>)
    %dma_wait3A_40 = arith.constant 0 : i32
    %dma_wait3A_41 = arith.constant 0 : i32
    %dma_wait3A_42 = tpu.memref_slice %arg4[%dma_wait3A_40, %dma_wait3A_41] : memref<16384x1024xf32, #tpu.memory_space<hbm>> -> memref<2x1024xf32, #tpu.memory_space<hbm>>
    %dma_wait3A_43 = arith.constant 0 : i32
    %dma_wait3A_44 = arith.constant 0 : i32
    %dma_wait3A_45 = tpu.memref_slice %arg4[%dma_wait3A_43, %dma_wait3A_44] : memref<16384x1024xf32, #tpu.memory_space<hbm>> -> memref<2x1024xf32, #tpu.memory_space<hbm>>
    tpu.wait_dma2 semaphore(%arg27 : memref<!tpu.dma_semaphore, #tpu.memory_space<semaphore_mem>>) src(%arg13 : memref<2x1024xf32, #tpu.memory_space<vmem>>) dst(%dma_wait3A_45 : memref<2x1024xf32, #tpu.memory_space<hbm>>)
    %dma_wait3A_46 = arith.constant 0 : i32
    %dma_wait3A_47 = arith.constant 0 : i32
    %dma_wait3A_48 = tpu.memref_slice %arg4[%dma_wait3A_46, %dma_wait3A_47] : memref<16384x1024xf32, #tpu.memory_space<hbm>> -> memref<2x1024xf32, #tpu.memory_space<hbm>>
    %dma_wait3A_49 = arith.constant 0 : i32
    %dma_wait3A_50 = arith.constant 0 : i32
    %dma_wait3A_51 = tpu.memref_slice %arg4[%dma_wait3A_49, %dma_wait3A_50] : memref<16384x1024xf32, #tpu.memory_space<hbm>> -> memref<2x1024xf32, #tpu.memory_space<hbm>>
    tpu.wait_dma2 semaphore(%arg27 : memref<!tpu.dma_semaphore, #tpu.memory_space<semaphore_mem>>) src(%arg13 : memref<2x1024xf32, #tpu.memory_space<vmem>>) dst(%dma_wait3A_51 : memref<2x1024xf32, #tpu.memory_space<hbm>>)
    %dma_wait3A_52 = arith.constant 0 : i32
    %dma_wait3A_53 = arith.constant 0 : i32
    %dma_wait3A_54 = tpu.memref_slice %arg4[%dma_wait3A_52, %dma_wait3A_53] : memref<16384x1024xf32, #tpu.memory_space<hbm>> -> memref<2x1024xf32, #tpu.memory_space<hbm>>
    %dma_wait3A_55 = arith.constant 0 : i32
    %dma_wait3A_56 = arith.constant 0 : i32
    %dma_wait3A_57 = tpu.memref_slice %arg4[%dma_wait3A_55, %dma_wait3A_56] : memref<16384x1024xf32, #tpu.memory_space<hbm>> -> memref<2x1024xf32, #tpu.memory_space<hbm>>
    tpu.wait_dma2 semaphore(%arg27 : memref<!tpu.dma_semaphore, #tpu.memory_space<semaphore_mem>>) src(%arg13 : memref<2x1024xf32, #tpu.memory_space<vmem>>) dst(%dma_wait3A_57 : memref<2x1024xf32, #tpu.memory_space<hbm>>)
    %dma_wait3A_58 = arith.constant 0 : i32
    %dma_wait3A_59 = arith.constant 0 : i32
    %dma_wait3A_60 = tpu.memref_slice %arg4[%dma_wait3A_58, %dma_wait3A_59] : memref<16384x1024xf32, #tpu.memory_space<hbm>> -> memref<2x1024xf32, #tpu.memory_space<hbm>>
    %dma_wait3A_61 = arith.constant 0 : i32
    %dma_wait3A_62 = arith.constant 0 : i32
    %dma_wait3A_63 = tpu.memref_slice %arg4[%dma_wait3A_61, %dma_wait3A_62] : memref<16384x1024xf32, #tpu.memory_space<hbm>> -> memref<2x1024xf32, #tpu.memory_space<hbm>>
    tpu.wait_dma2 semaphore(%arg28 : memref<!tpu.dma_semaphore, #tpu.memory_space<semaphore_mem>>) src(%arg17 : memref<2x1024xf32, #tpu.memory_space<vmem>>) dst(%dma_wait3A_63 : memref<2x1024xf32, #tpu.memory_space<hbm>>)
    %dma_wait3A_64 = arith.constant 0 : i32
    %dma_wait3A_65 = arith.constant 0 : i32
    %dma_wait3A_66 = tpu.memref_slice %arg4[%dma_wait3A_64, %dma_wait3A_65] : memref<16384x1024xf32, #tpu.memory_space<hbm>> -> memref<2x1024xf32, #tpu.memory_space<hbm>>
    %dma_wait3A_67 = arith.constant 0 : i32
    %dma_wait3A_68 = arith.constant 0 : i32
    %dma_wait3A_69 = tpu.memref_slice %arg4[%dma_wait3A_67, %dma_wait3A_68] : memref<16384x1024xf32, #tpu.memory_space<hbm>> -> memref<2x1024xf32, #tpu.memory_space<hbm>>
    tpu.wait_dma2 semaphore(%arg28 : memref<!tpu.dma_semaphore, #tpu.memory_space<semaphore_mem>>) src(%arg17 : memref<2x1024xf32, #tpu.memory_space<vmem>>) dst(%dma_wait3A_69 : memref<2x1024xf32, #tpu.memory_space<hbm>>)
    %dma_wait3A_70 = arith.constant 0 : i32
    %dma_wait3A_71 = arith.constant 0 : i32
    %dma_wait3A_72 = tpu.memref_slice %arg4[%dma_wait3A_70, %dma_wait3A_71] : memref<16384x1024xf32, #tpu.memory_space<hbm>> -> memref<2x1024xf32, #tpu.memory_space<hbm>>
    %dma_wait3A_73 = arith.constant 0 : i32
    %dma_wait3A_74 = arith.constant 0 : i32
    %dma_wait3A_75 = tpu.memref_slice %arg4[%dma_wait3A_73, %dma_wait3A_74] : memref<16384x1024xf32, #tpu.memory_space<hbm>> -> memref<2x1024xf32, #tpu.memory_space<hbm>>
    tpu.wait_dma2 semaphore(%arg28 : memref<!tpu.dma_semaphore, #tpu.memory_space<semaphore_mem>>) src(%arg17 : memref<2x1024xf32, #tpu.memory_space<vmem>>) dst(%dma_wait3A_75 : memref<2x1024xf32, #tpu.memory_space<hbm>>)
    %dma_wait3A_76 = arith.constant 0 : i32
    %dma_wait3A_77 = arith.constant 0 : i32
    %dma_wait3A_78 = tpu.memref_slice %arg4[%dma_wait3A_76, %dma_wait3A_77] : memref<16384x1024xf32, #tpu.memory_space<hbm>> -> memref<2x1024xf32, #tpu.memory_space<hbm>>
    %dma_wait3A_79 = arith.constant 0 : i32
    %dma_wait3A_80 = arith.constant 0 : i32
    %dma_wait3A_81 = tpu.memref_slice %arg4[%dma_wait3A_79, %dma_wait3A_80] : memref<16384x1024xf32, #tpu.memory_space<hbm>> -> memref<2x1024xf32, #tpu.memory_space<hbm>>
    tpu.wait_dma2 semaphore(%arg28 : memref<!tpu.dma_semaphore, #tpu.memory_space<semaphore_mem>>) src(%arg17 : memref<2x1024xf32, #tpu.memory_space<vmem>>) dst(%dma_wait3A_81 : memref<2x1024xf32, #tpu.memory_space<hbm>>)
    return
  }
}

</mosaic_0001>

<sc_bundles>
// kernel: kernel.3.cloned.1.call-start
scs
__scs_entry_jumppad:
0x0: {  	(pc) =	sbr.rel $0x88, $3  }
0x1: {  	(tag) =	ssettag $0x0;
	lr =	simm.s32 $0x1  }
0x2: {  	[smem:$0x3F9F] =	sst lr;
	_ =	strace $0xD0000000  }
0x3: {  	_ = 	snop  }
0x4: {  	_ = 	snop  }
0x5: {  	_ = 	snop  }
0x6: {  	_ = 	snop  }
0x7: {  	_ = 	snop  }
__scs_overlays_trampoline_lowered:
0x8: {  	[smem:$0x3FAE] =	sst s0  }
0x9: {  	[smem:$0x3FAF] =	sst s1  }
0xa: {  	[smem:$0x3FB0] =	sst s2  }
0xb: {  	[smem:$0x3FB1] =	sst s3  }
0xc: {  	[smem:$0x3FB2] =	sst s4  }
0xd: {  	[smem:$0x3FB3] =	sst s5  }
0xe: {  	[smem:$0x3FB4] =	sst s6  }
0xf: {  	[smem:$0x3FB5] =	sst s7  }
0x10: {  	[smem:$0x3FB6] =	sst s8  }
0x11: {  	[smem:$0x3FB7] =	sst s9;
	s0 =	simm.s32 @!p0 $0x0  }
0x12: {  	s1 =	sld [smem:$0x3F9D];
	s0 =	simm.s32 @p0 $0x1  }
0x13: {  	[smem:$0x3FB8] =	sst s0;
	s0 =	simm.s32 @!p1 $0x0  }
0x14: {  	s2 =	sld [smem:$0x3F9C];
	s0 =	simm.s32 @p1 $0x1  }
0x15: {  	[smem:$0x3FB9] =	sst s0;
	s0 =	simm.s32 @!p2 $0x0  }
0x16: {  	s3 =	sld [smem:$0x3FDB];
	s0 =	simm.s32 @p2 $0x1  }
0x17: {  	s4 =	simm.s32 $0x1BF5;
	[smem:$0x3FBB] =	sst s0  }
0x18: {  	s0 =	sld [smem:$0x3F9E];
	_ =	swait.ge [sflag:s4], $0x0  }
0x19: {  	s7 =	sld [smem:$0x3F9F]  }
0x1a: {  	s8 =	sadd.s32 $0xFFFFE003, lr  }
0x1b: {  	s9 =	sadd.s32 $0xFFFFFEF7, lr;
	s5 =	simm.s32 $0xFFFFFFFF;
	p2 =	slt.u32 s8, $0xFFFFF086  }
0x1c: {  	p1 =	slt.u32 s9, $0xF7A;
	s5 =	simm.s32 @!p2 $0x0  }
0x1d: {  	s5 =	simm.s32 @p1 $0x1;
	p0 =	seq.s32 s7, s2  }
0x1e: {  	s7 =	smul.u32 @!p0 $0xF7A, s2;
	p2 =	seq.s32 @!p0 s5, $0x0  }
0x1f: {  	s9 =	smul.u32 $0xF7A, s1;
	s8 =	simm.s32 @!p0 $0x1BF5;
	p2 =	por !p2, p0  }
0x20: {  	[sflag:s8] =	ssyncset.s32 @!p0 $0xFFFFF086;
	s6 =	sadd.s32 @!p0 s3, s7;
	s7 =	simm.s32 @!p0 $0x108  }
0x21: {  	s3 =	sadd.s32 s3, s9;
	s6 =	sadd.s32 @!p0 $0x88, s6;
	s7 =	simm.s32 @p2 $0x1082  }
0x22: {  	[simem:s7], [sflag:s8] =	dma.local @!p0 [hbm:s6], $0xF7A  }
0x23: {  	s9 =	sor.u32 $0xD0000000, s2;
	s6 =	simm.s32 $0x108;
	_ =	swait.ge @!p0 [sflag:s8], $0x0  }
0x24: {  	s3 =	sadd.s32 $0x88, s3;
	s6 =	simm.s32 @!p1 $0x1082;
	[sflag:s4] =	ssyncset.s32 $0xFFFFF086  }
0x25: {  	[simem:s6], [sflag:s4] =	dma.local [hbm:s3], $0xF7A  }
0x26: {  	[smem:$0x3F9F] =	sst s1;
	(tag) =	ssettag s2;
	_ =	strace s9  }
0x27: {  	s1 =	sld [smem:$0x3FAF]  }
0x28: {  	s2 =	sld [smem:$0x3FB0]  }
0x29: {  	s4 =	sld [smem:$0x3FB2]  }
0x2a: {  	p0 =	seq.s32 s5, $0x0;
	s5 =	sld [smem:$0x3FB3]  }
0x2b: {  	s6 =	sld [smem:$0x3FB4]  }
0x2c: {  	s7 =	sld [smem:$0x3FB5]  }
0x2d: {  	s3 =	simm.s32 $0x108;
	s8 =	sld [smem:$0x3FB6]  }
0x2e: {  	s3 =	simm.s32 @!p0 $0x1082;
	s9 =	sld [smem:$0x3FB7]  }
0x2f: {  	lr =	sadd.s32 s0, s3;
	s0 =	sld [smem:$0x3FAE]  }
0x30: {  	s3 =	sld [smem:$0x3FB1]  }
0x31: {  	[smem:$0x3FBA] =	sst s10  }
0x32: {  	s10 =	sld [smem:$0x3FB8];
	_ =	sdelay $0x3  }
0x33: {  	p0 =	seq.s32 s10, $0x1;
	s10 =	sld [smem:$0x3FBA];
	_ =	sdelay $0x3  }
0x34: {  	[smem:$0x3FBA] =	sst s10  }
0x35: {  	s10 =	sld [smem:$0x3FB9];
	_ =	sdelay $0x3  }
0x36: {  	p1 =	seq.s32 s10, $0x1;
	s10 =	sld [smem:$0x3FBA];
	_ =	sdelay $0x3  }
0x37: {  	[smem:$0x3FBA] =	sst s10  }
0x38: {  	s10 =	sld [smem:$0x3FBB]  }
0x39: {  	_ = 	snop;
	(pc) =	sbr.ind lr, $3  }
0x3a: {  	_ = 	snop  }
0x3b: {  	_ = 	snop  }
0x3c: {  	p2 =	seq.s32 s10, $0x1;
	s10 =	sld [smem:$0x3FBA]  }
0x3d: {  	_ =	shalt  }
0x3e: {  	_ =	shalt  }
0x3f: {  	_ =	shalt  }
0x40: {  	_ =	shalt  }
0x41: {  	_ =	shalt  }
0x42: {  	_ =	shalt  }
0x43: {  	_ =	shalt  }
0x44: {  	_ =	shalt  }
0x45: {  	_ =	shalt  }
0x46: {  	_ =	shalt  }
0x47: {  	_ =	shalt  }
0x48: {  	_ =	shalt  }
0x49: {  	_ =	shalt  }
0x4a: {  	_ =	shalt  }
0x4b: {  	_ =	shalt  }
0x4c: {  	_ =	shalt  }
0x4d: {  	_ =	shalt  }
0x4e: {  	_ =	shalt  }
0x4f: {  	_ =	shalt  }
0x50: {  	_ =	shalt  }
0x51: {  	_ =	shalt  }
0x52: {  	_ =	shalt  }
0x53: {  	_ =	shalt  }
0x54: {  	_ =	shalt  }
0x55: {  	_ =	shalt  }
0x56: {  	_ =	shalt  }
0x57: {  	_ =	shalt  }
0x58: {  	_ =	shalt  }
0x59: {  	_ =	shalt  }
0x5a: {  	_ =	shalt  }
0x5b: {  	_ =	shalt  }
0x5c: {  	_ =	shalt  }
0x5d: {  	_ =	shalt  }
0x5e: {  	_ =	shalt  }
0x5f: {  	_ =	shalt  }
0x60: {  	_ =	shalt  }
0x61: {  	_ =	shalt  }
0x62: {  	_ =	shalt  }
0x63: {  	_ =	shalt  }
0x64: {  	_ =	shalt  }
0x65: {  	_ =	shalt  }
0x66: {  	_ =	shalt  }
0x67: {  	_ =	shalt  }
0x68: {  	_ =	shalt  }
0x69: {  	_ =	shalt  }
0x6a: {  	_ =	shalt  }
0x6b: {  	_ =	shalt  }
0x6c: {  	_ =	shalt  }
0x6d: {  	_ =	shalt  }
0x6e: {  	_ =	shalt  }
0x6f: {  	_ =	shalt  }
0x70: {  	_ =	shalt  }
0x71: {  	_ =	shalt  }
0x72: {  	_ =	shalt  }
0x73: {  	_ =	shalt  }
0x74: {  	_ =	shalt  }
0x75: {  	_ =	shalt  }
0x76: {  	_ =	shalt  }
0x77: {  	_ =	shalt  }
0x78: {  	_ =	shalt  }
0x79: {  	_ =	shalt  }
0x7a: {  	_ =	shalt  }
0x7b: {  	_ =	shalt  }
0x7c: {  	_ =	shalt  }
0x7d: {  	_ =	shalt  }
0x7e: {  	_ =	shalt  }
0x7f: {  	_ =	shalt  }
0x80: {  	_ =	shalt  }
0x81: {  	_ =	shalt  }
0x82: {  	_ =	shalt  }
0x83: {  	_ =	shalt  }
0x84: {  	_ =	shalt  }
0x85: {  	_ =	shalt  }
0x86: {  	_ =	shalt  }
0x87: {  	_ =	shalt  }
.Lfunc_end0:
.L_simem_size_0:
called_computation_lowered:
.L_overlay_start_0:
0x88: {  	s2 =	sld [smem:$0x3FD9]  }
0x89: {  	s3 =	sld [smem:$0x3FFE];
	_ =	sdelay $0x1  }
0x8a: {  	s1 =	srdreg.scid  }
0x8b: {  	s0 =	sand.u32 $0x1, s1  }
0x8c: {  	s18 =	sshll.u32 s0, $0xA;
	s2 =	sadd.s32 s3, s2  }
0x8d: {  	s2 =	sadd.s32 s2, s18  }
0x8e: {  	[smem:$0x3FC6] =	sst s2  }
0x8f: {  	_ = 	snop  }
0x90: {  	s2 =	sld [smem:$0x3FC9]  }
0x91: {  	s19 =	sld [smem:$0x3FC8]  }
0x92: {  	s4 =	sld [smem:$0x3FD0];
	(tm) =	ssettm $0x1  }
0x93: {  	s5 =	sld [smem:$0x3FFB];
	_ =	sdelay $0x3  }
0x94: {  	_ =	strace s5  }
0x95: {  	s5 =	sld [smem:$0x3FFC];
	_ =	sdelay $0x3  }
0x96: {  	_ =	strace s5  }
0x97: {  	s5 =	sld [smem:$0x3FFD];
	_ =	sdelay $0x3  }
0x98: {  	_ =	strace s5  }
0x99: {  	_ =	strace $0x8FFFFFFF  }
0x9a: {  	s20 =	sld [smem:$0x3FDB];
	_ =	sdelay $0x1  }
0x9b: {  	s6 =	simm.s32 $_scs_section_size  }
0x9c: {  	s7 =	simm.s32 $_size__tile_overlayer_lowered;
	s8 =	simm.s32 $_tile_overlayer_lowered  }
0x9d: {  	s23 =	simm.s32 $0x1BFF;
	s22 =	sshll.u32 s8, $0x1;
	s5 =	sadd.s32 s6, s20  }
0x9e: {  	s9 =	simm.s32 $0x0;
	s21 =	sshll.u32 s7, $0x1;
	s7 =	sadd.s32 s22, s5  }
0x9f: {  	[timem:s9], [sflag:s23] =	dma.local [hbm:s7], s21  }
0xa0: {  	_ =	swait.ge [sflag:s23], s21  }
0xa1: {  	s6 =	ssub.s32 $0x0, s21;
	[sflag:s23] =	ssyncset.done $0x0  }
0xa2: {  	[sflag:s23] =	ssyncadd.s32 s6;
	_ =	sdelay $0x1  }
0xa3: {  	s24 =	simm.s32 $0x1B8B  }
0xa4: {  	_ =	swait.ge [sflag:s24], $0x1  }
0xa5: {  	[sflag:s24] =	ssyncset.done $0x0  }
0xa6: {  	s25 =	simm.s32 $0x1B8E;
	[sflag:s24] =	ssyncadd.s32 $0xFFFFFFFF  }
0xa7: {  	s26 =	simm.s32 $execute0_lowered;
	[smem:$0x3FD2] =	sst s25  }
0xa8: {  	s6 =	sshll.u32 s26, $0x1;
	_ =	strace $0x80000046;
	[dreg:$0x1] =	wrdreg $0xFFFFFFFF  }
0xa9: {  	s28 =	simm.s32 $_size_execute0_lowered;
	s5 =	sadd.s32 s5, s6;
	[dreg:$0x0] =	wrdreg $0x0  }
0xaa: {  	s6 =	sshll.u32 s28, $0x1;
	[dreg:$0x2] =	wrdreg s5  }
0xab: {  	[dreg:$0x3] =	wrdreg s6  }
0xac: {  	[dreg:$0x4] =	wrdreg $0xC0  }
0xad: {  	_ =	task [dreg:s9], $0x5FFFF  }
0xae: {  	[dreg:$0x1] =	wrdreg $0xFFFFFFFF  }
0xaf: {  	[dreg:$0x0] =	wrdreg $0x60  }
0xb0: {  	[dreg:$0x2] =	wrdreg s2  }
0xb1: {  	[dreg:$0x3] =	wrdreg s19  }
0xb2: {  	[dreg:$0x4] =	wrdreg s4  }
0xb3: {  	[dreg:$0x5] =	wrdreg $0x9  }
0xb4: {  	_ =	task.clear_ibuf [dreg:s9], $0x6FFFF;
	_ =	strace $0x90000046  }
0xb5: {  	s29 =	simm.s32 $0x9;
	_ =	strace $0x80000048  }
0xb6: {  	_ =	swait.ge [sflag:s29], $0x1  }
0xb7: {  	[sflag:s29] =	ssyncadd.s32 $0xFFFFFFFF  }
0xb8: {  	_ =	strace $0x90000048  }
0xb9: {  	_ =	sfence  }
0xba: {  	s30 =	sld [smem:$0x0];
	_ =	sdelay $0x2  }
0xbb: {  	s31 =	sshll.u32 s1, $0xD;
	s1 =	sshrl.u32 s1, $0x2  }
0xbc: {  	s3 =	sand.u32 $0x4000, s31;
	s1 =	sadd.s32 s1, s30  }
0xbd: {  	s0 =	sor.u32 s3, s0;
	s1 =	sshll.u32 s1, $0x11  }
0xbe: {  	s0 =	sor.u32 s1, s0  }
0xbf: {  	s0 =	sadd.s32 $0x8F2B, s0  }
0xc0: {  	[sflag:s0] =	ssyncadd.remote.s32 $0x1  }
0xc1: {  	_ =	sfence.sel $0xFFFF  }
0xc2: {  	[dreg:$0x0] =	wrdreg $0xFFFFFFFF;
	(pc) =	sbr.abs _section_cstart, $3  }
0xc3: {  	[dreg:$0x1] =	wrdreg $0xFFFFFFFF  }
0xc4: {  	_ =	task.clear_ibuf [dreg:s9], $0x2FFFF;
	_ =	strace $0x9FFFFFFF  }
0xc5: {  	(tm) =	ssettm $0x7FFFFFFF  }
tec
execute0_lowered:
.L_overlay_start_1:
0x0: {  	(tag) =	ssettag $0x1  }
0x1: {  	s1 =	rddreg [dreg:$0x0]  }
0x2: {  	s0 =	srdreg.scid;
	s3 =	rddreg [dreg:$0x1]  }
0x3: {  	s5 =	stileid.u32;
	s4 =	rddreg [dreg:$0x2];
	s6 =	simm.s32 $0x0  }
0x4: {  	s16 =	simm.s32 $0x100;
	s17 =	simm.s32 $0x400;
	s28 =	simm.s32 $0x1  }
0x5: {  	s29 =	simm.s32 $0x3;
	s30 =	simm.s32 $0x4000;
	s31 =	simm.s32 $0x4800  }
0x6: {  	s18 =	simm.s32 $0x4;
	s19 =	simm.s32 $0x6000;
	s20 =	simm.s32 $0x6800  }
0x7: {  	s21 =	simm.s32 $0x7000;
	s8 =	simm.s32 $0x7800;
	s0 =	sand.u32 $0x1, s0  }
0x8: {  	s10 =	simm.s32 $0x0;
	s5 =	sshll.u32 s5, $0x7;
	s2 =	sshll.u32 s0, $0xB  }
0x9: {  	[smem:$0x7FF] =	sst s6;
	s12 =	sadd.s32 $0x80000, s4;
	s5 =	sor.u32 s5, s2  }
0xa: {  	s13 =	sadd.s32 $0x100000, s4;
	s0 =	ssub.s32 $0x2, s0;
	s2 =	sshll.u32 s5, $0x7  }
0xb: {  	_ =	strace $0x80000047;
	s23 =	sshrl.u32 s0, $0x1;
	s7 =	sadd.s32 s1, s2  }
0xc: {  	s0 =	ssub.s32 s0, s23;
	s2 =	sadd.s32 s3, s2;
	[dreg:$0x4] =	wrdreg s7  }
0xd: {  	s14 =	sadd.s32 $0x180000, s4;
	s0 =	smax.u32 s0, $0x1;
	[dreg:$0x8] =	wrdreg s2  }
0xe: {  	s6 =	simm.s32 $0x2;
	s24 =	sadd.s32 $0x80000, s7;
	[dreg:$0x9] =	wrdreg s0  }
0xf: {  	s25 =	sadd.s32 $0x100000, s7;
	s26 =	sadd.s32 $0x180000, s7;
	[dreg:$0x5] =	wrdreg s24  }
0x10: {  	s2 =	simm.s32 $0x5000;
	s0 =	simm.s32 $0x5800;
	[dreg:$0x6] =	wrdreg s25  }
0x11: {  	[dreg:$0x7] =	wrdreg s26;
	s25 =	simm.s32 $0x3800;
	s26 =	simm.s32 $0x8800  }
.LBB2_1:
0x12: {  	[dreg:$0xa] =	wrdreg s10  }
0x13: {  	s7 =	simm.s32 $0x0;
	s9 =	rddreg [dreg:$0x4]  }
0x14: {  	[tilespmem:s7], [sflag:$0x1] =	stream.strided.gather [hbm4b:s9+s16], $0x800, s17, s16, $0x38;
	[tilespmem:$0x9000] =	vst v63  }
0x15: {  	s23 =	rddreg [dreg:$0x5];
	s24 =	simm.s32 $0x800  }
0x16: {  	[tilespmem:s24], [sflag:$0x1] =	stream.strided.gather [hbm4b:s23+s16], $0x800, s17, s16, $0x38;
	[tilespmem:$0x9000] =	vst v63  }
0x17: {  	s10 =	rddreg [dreg:$0x6];
	s11 =	simm.s32 $0x1000  }
0x18: {  	[tilespmem:s11], [sflag:$0x1] =	stream.strided.gather [hbm4b:s10+s16], $0x800, s17, s16, $0x38;
	[tilespmem:$0x9000] =	vst v63  }
0x19: {  	s15 =	rddreg [dreg:$0x7];
	s22 =	simm.s32 $0x1800  }
0x1a: {  	[tilespmem:s22], [sflag:$0x1] =	stream.strided.gather [hbm4b:s15+s16], $0x800, s17, s16, $0x38;
	[tilespmem:$0x9000] =	vst v63  }
0x1b: {  	s23 =	rddreg [dreg:$0x8];
	s24 =	simm.s32 $0x8000;
	s15 =	simm.s32 $0x0  }
0x1c: {  	[tilespmem:s24], [sflag:$0x3] =	stream.strided.gather [hbm4b:s23+s16], $0x800, s17, s16, $0x38;
	[tilespmem:$0x9000] =	vst v63  }
.LBB2_2:
0x1d: {  	s7 =	sshll.u32 s15, $0x2  }
0x1e: {  	s7 =	sadd.s32 s5, s7  }
0x1f: {  	s10 =	sshll.u32 s15, $0x6;
	s9 =	sshll.u32 s7, $0x7  }
0x20: {  	s10 =	sand.u32 $0x40, s10;
	s9 =	sand.u32 $0x7FC00, s9  }
0x21: {  	s9 =	sor.u32 s10, s9  }
0x22: {  	s10 =	sor.u32 $0x20, s9  }
0x23: {  	s22 =	simm.s32 $0x2000;
	s11 =	sadd.s32 s1, s10  }
0x24: {  	[tilespmem:s22], [sflag:$0x2] =	stream.strided.gather [hbm4b:s11+s16], $0x800, s17, s16, $0x38;
	[tilespmem:$0x9000] =	vst v63  }
0x25: {  	s22 =	sor.u32 $0x1002, s7  }
0x26: {  	s23 =	sshll.u32 s22, $0x4  }
0x27: {  	s11 =	sshll.u32 s22, $0x7;
	s22 =	sand.u32 $0x60, s23  }
0x28: {  	s11 =	sand.u32 $0xFFFFC00, s11;
	s22 =	sadd.s32 s1, s22  }
0x29: {  	s24 =	simm.s32 $0x2800;
	s23 =	sor.u32 $0x2002, s7;
	s11 =	sadd.s32 s11, s22  }
0x2a: {  	[tilespmem:s24], [sflag:$0x2] =	stream.strided.gather [hbm4b:s11+s16], $0x800, s17, s16, $0x38;
	[tilespmem:$0x9000] =	vst v63  }
0x2b: {  	s24 =	sshll.u32 s23, $0x4  }
0x2c: {  	s11 =	sshll.u32 s23, $0x7;
	s22 =	sand.u32 $0x60, s24  }
0x2d: {  	s7 =	sor.u32 $0x3002, s7;
	s11 =	sand.u32 $0xFFFFC00, s11;
	s22 =	sadd.s32 s1, s22  }
0x2e: {  	s23 =	simm.s32 $0x3000;
	s24 =	sshll.u32 s7, $0x4;
	s11 =	sadd.s32 s11, s22  }
0x2f: {  	[tilespmem:s23], [sflag:$0x2] =	stream.strided.gather [hbm4b:s11+s16], $0x800, s17, s16, $0x38;
	[tilespmem:$0x9000] =	vst v63  }
0x30: {  	s7 =	sshll.u32 s7, $0x7;
	s11 =	sand.u32 $0x60, s24  }
0x31: {  	s7 =	sand.u32 $0xFFFFC00, s7;
	s11 =	sadd.s32 s1, s11  }
0x32: {  	s7 =	sadd.s32 s7, s11  }
0x33: {  	[tilespmem:s25], [sflag:$0x2] =	stream.strided.gather [hbm4b:s7+s16], $0x800, s17, s16, $0x38;
	[tilespmem:$0x9000] =	vst v63  }
0x34: {  	s10 =	sadd.s32 s3, s10  }
0x35: {  	[tilespmem:s26], [sflag:$0x4] =	stream.strided.gather [hbm4b:s10+s16], $0x800, s17, s16, $0x38;
	[tilespmem:$0x9000] =	vst v63  }
0x36: {  	_ =	swait.ge [sflag:s28], $0x800  }
0x37: {  	[sflag:s28] =	ssyncset.done $0x0  }
0x38: {  	[sflag:s28] =	ssyncadd.s32 $0xFFFFF800  }
0x39: {  	_ =	swait.ge [sflag:s28], $0x800  }
0x3a: {  	[sflag:s28] =	ssyncset.done $0x0  }
0x3b: {  	[sflag:s28] =	ssyncadd.s32 $0xFFFFF800  }
0x3c: {  	_ =	swait.ge [sflag:s28], $0x800  }
0x3d: {  	[sflag:s28] =	ssyncset.done $0x0  }
0x3e: {  	[sflag:s28] =	ssyncadd.s32 $0xFFFFF800  }
0x3f: {  	_ =	swait.ge [sflag:s28], $0x800  }
0x40: {  	[sflag:s28] =	ssyncset.done $0x0  }
0x41: {  	[sflag:s28] =	ssyncadd.s32 $0xFFFFF800  }
0x42: {  	_ =	swait.ge [sflag:s29], $0x800  }
0x43: {  	p0 =	seq.s32 s15, $0x0;
	[sflag:s29] =	ssyncset.done $0x0  }
0x44: {  	s7 =	simm.s32 @!p0 $0x5;
	[sflag:s29] =	ssyncadd.s32 $0xFFFFF800  }
0x45: {  	_ =	swait.ge @!p0 [sflag:s7], $0x800  }
0x46: {  	[sflag:s7] =	ssyncset.done @!p0 $0x0  }
0x47: {  	[sflag:s7] =	ssyncadd.s32 @!p0 $0xFFFFF800  }
0x48: {  	_ =	swait.ge @!p0 [sflag:s7], $0x800  }
0x49: {  	[sflag:s7] =	ssyncset.done @!p0 $0x0  }
0x4a: {  	[sflag:s7] =	ssyncadd.s32 @!p0 $0xFFFFF800  }
0x4b: {  	_ =	swait.ge @!p0 [sflag:s7], $0x800  }
0x4c: {  	[sflag:s7] =	ssyncset.done @!p0 $0x0  }
0x4d: {  	[sflag:s7] =	ssyncadd.s32 @!p0 $0xFFFFF800  }
0x4e: {  	s11 =	simm.s32 $0x0;
	_ =	swait.ge @!p0 [sflag:s7], $0x800  }
0x4f: {  	s22 =	sand.u32 $0x70, s11;
	s10 =	sand.u32 $0x700, s11;
	[sflag:s7] =	ssyncset.done @!p0 $0x0  }
0x50: {  	s10 =	sor.u32 s22, s10;
	[sflag:s7] =	ssyncadd.s32 @!p0 $0xFFFFF800  }
0x51: {  	v0 =	vld [tilespmem:s10+$0x8080]  }
0x52: {  	v3 =	vld [tilespmem:s10+$0x1880]  }
0x53: {  	v1 =	vld [tilespmem:s10+$0x8000]  }
0x54: {  	v6 =	vld [tilespmem:s10+$0x0]  }
0x55: {  	v8 =	vld [tilespmem:s10+$0x800]  }
0x56: {  	v4 =	vld [tilespmem:s10+$0x1000]  }
0x57: {  	v2 =	vld [tilespmem:s10+$0x1800];
	v7 =	vadd.f32 v3, v0  }
0x58: {  	s23 =	simm.s32 $0x10;
	s22 =	simm.s32 $0x20;
	v3 =	vld [tilespmem:s10+$0x80]  }
0x59: {  	s24 =	sand.u32 $0x70, s23;
	s23 =	sand.u32 $0x700, s22;
	v5 =	vld [tilespmem:s10+$0x880];
	[tilespmem:s10+$0x5880] =	vst v7;
	v7 =	vadd.f32 v6, v1  }
0x5a: {  	s11 =	sor.u32 s24, s23;
	s23 =	simm.s32 $0x20;
	s7 =	sshllo.u32 s15, $0x1;
	v8 =	vadd.f32 v8, v1;
	v6 =	vld [tilespmem:s10+$0x1080]  }
.LBB2_3:
0x5b: {  	p1 =	sne.s32 s23, $0x3F0;
	v9 =	vld [tilespmem:s11+$0x8080];
	[tilespmem:s10+$0x4000] =	vst v7;
	v4 =	vadd.f32 v4, v1  }
0x5c: {  	v7 =	vld [tilespmem:s11+$0x1880];
	[tilespmem:s10+$0x4800] =	vst v8;
	v2 =	vadd.f32 v2, v1  }
0x5d: {  	v1 =	vld [tilespmem:s11+$0x8000];
	[tilespmem:s10+$0x5000] =	vst v4;
	v3 =	vadd.f32 v3, v0  }
0x5e: {  	v8 =	vld [tilespmem:s11+$0x0];
	[tilespmem:s10+$0x5800] =	vst v2;
	v2 =	vadd.f32 v5, v0  }
0x5f: {  	v10 =	vld [tilespmem:s11+$0x800];
	[tilespmem:s10+$0x4080] =	vst v3;
	v3 =	vadd.f32 v6, v0  }
.Ltmp0:
0x60: {  	v4 =	vld [tilespmem:s11+$0x1000];
	[tilespmem:s10+$0x4880] =	vst v2;
	v0 =	vmov v9;
	(pc) =	sbr.rel @p1 .LBB2_3-.Ltmp0, $4  }
0x61: {  	v2 =	vld [tilespmem:s11+$0x1800];
	v6 =	vadd.f32 v7, v0;
	[tilespmem:s10+$0x5080] =	vst v3;
	s10 =	smov.u32 s11  }
0x62: {  	s22 =	sadd.s32 $0x20, s22;
	v3 =	vld [tilespmem:s10+$0x80]  }
0x63: {  	s24 =	sand.u32 $0x700, s22;
	s11 =	sand.u32 $0x70, s23;
	v7 =	vadd.f32 v8, v1;
	v5 =	vld [tilespmem:s10+$0x880];
	[tilespmem:s10+$0x5880] =	vst v6  }
0x64: {  	s23 =	sadd.s32 $0x10, s23;
	s11 =	sor.u32 s11, s24;
	v8 =	vadd.f32 v10, v1;
	v6 =	vld [tilespmem:s10+$0x1080]  }
0x65: {  	v9 =	vld [tilespmem:s11+$0x8080];
	[tilespmem:s10+$0x4000] =	vst v7;
	v4 =	vadd.f32 v4, v1  }
0x66: {  	v7 =	vld [tilespmem:s11+$0x1880];
	[tilespmem:s10+$0x4800] =	vst v8;
	v1 =	vadd.f32 v2, v1  }
0x67: {  	v8 =	vld [tilespmem:s11+$0x8000];
	[tilespmem:s10+$0x5000] =	vst v4;
	v3 =	vadd.f32 v3, v0  }
0x68: {  	v2 =	vld [tilespmem:s11+$0x0];
	[tilespmem:s10+$0x5800] =	vst v1;
	v4 =	vadd.f32 v5, v0  }
0x69: {  	v1 =	vld [tilespmem:s11+$0x800];
	[tilespmem:s10+$0x4080] =	vst v3;
	v0 =	vadd.f32 v6, v0  }
0x6a: {  	v3 =	vld [tilespmem:s11+$0x1000];
	[tilespmem:s10+$0x4880] =	vst v4  }
0x6b: {  	v4 =	vld [tilespmem:s11+$0x1800];
	[tilespmem:s10+$0x5080] =	vst v0  }
0x6c: {  	v0 =	vadd.f32 v7, v9;
	v5 =	vld [tilespmem:s11+$0x80]  }
0x6d: {  	v6 =	vld [tilespmem:s11+$0x880];
	v2 =	vadd.f32 v2, v8  }
0x6e: {  	[tilespmem:s11+$0x5880] =	vst v0;
	v0 =	vadd.f32 v1, v8;
	v1 =	vld [tilespmem:s11+$0x1080]  }
0x6f: {  	[tilespmem:s11+$0x4000] =	vst v2;
	v2 =	vadd.f32 v3, v8  }
0x70: {  	[tilespmem:s11+$0x4800] =	vst v0;
	v0 =	vadd.f32 v4, v8  }
0x71: {  	[tilespmem:s11+$0x5000] =	vst v2;
	v2 =	vadd.f32 v5, v9  }
0x72: {  	[tilespmem:s11+$0x5800] =	vst v0;
	v0 =	vadd.f32 v6, v9  }
0x73: {  	[tilespmem:s11+$0x4080] =	vst v2;
	v1 =	vadd.f32 v1, v9  }
0x74: {  	[tilespmem:s11+$0x4880] =	vst v0  }
0x75: {  	s22 =	sadd.s32 s4, s9;
	[tilespmem:s11+$0x5080] =	vst v1  }
0x76: {  	[hbm4b:s22+s16] =	stream.strided.scatter [tilespmem:s30], [sflag:$0x5], $0x800, s17, s16, $0x38;
	[tilespmem:$0x9000] =	vst v63  }
0x77: {  	s23 =	sadd.s32 s9, s12;
	s24 =	sadd.s32 s9, s13;
	s22 =	sshll.u32 s7, $0x1  }
0x78: {  	[hbm4b:s23+s16] =	stream.strided.scatter [tilespmem:s31], [sflag:$0x5], $0x800, s17, s16, $0x38;
	[tilespmem:$0x9000] =	vst v63  }
0x79: {  	p1 =	seq.s32 s15, $0x1F;
	s11 =	sadd.s32 s9, s14;
	s9 =	sadd.s32 s5, s22  }
0x7a: {  	[hbm4b:s24+s16] =	stream.strided.scatter [tilespmem:s2], [sflag:$0x5], $0x800, s17, s16, $0x38;
	[tilespmem:$0x9000] =	vst v63  }
0x7b: {  	s10 =	sadd.s32 @!p1 $0x2, s9  }
0x7c: {  	[hbm4b:s11+s16] =	stream.strided.scatter [tilespmem:s0], [sflag:$0x5], $0x800, s17, s16, $0x38;
	[tilespmem:$0x9000] =	vst v63  }
0x7d: {  	s11 =	sshll.u32 @!p1 s10, $0x7;
	s10 =	sshll.u32 @!p1 s10, $0x4  }
0x7e: {  	s11 =	sand.u32 @!p1 $0xFFFFC00, s11;
	s10 =	sand.u32 @!p1 $0x40, s10  }
0x7f: {  	s22 =	simm.s32 @!p1 $0x100;
	s10 =	sor.u32 @!p1 s10, s11  }
0x80: {  	s23 =	simm.s32 @!p1 $0x400;
	s24 =	simm.s32 @!p1 $0x0;
	s11 =	sadd.s32 @!p1 s1, s10  }
0x81: {  	[tilespmem:s24], [sflag:$0x1] =	stream.strided.gather @!p1 [hbm4b:s11+s22], $0x800, s23, s22, $0x38;
	[tilespmem:$0x9000] =	vst v63  }
0x82: {  	s11 =	sadd.s32 @!p1 $0x1002, s9  }
0x83: {  	s24 =	sshll.u32 @!p1 s11, $0x4  }
0x84: {  	s11 =	sshll.u32 @!p1 s11, $0x7;
	s24 =	sand.u32 @!p1 $0x40, s24  }
0x85: {  	s11 =	sand.u32 @!p1 $0xFFFFC00, s11;
	s24 =	sadd.s32 @!p1 s1, s24  }
0x86: {  	s11 =	sadd.s32 @!p1 s11, s24;
	s24 =	simm.s32 @!p1 $0x800  }
0x87: {  	[tilespmem:s24], [sflag:$0x1] =	stream.strided.gather @!p1 [hbm4b:s11+s22], $0x800, s23, s22, $0x38;
	[tilespmem:$0x9000] =	vst v63  }
0x88: {  	s11 =	sadd.s32 @!p1 $0x2002, s9  }
0x89: {  	s24 =	sshll.u32 @!p1 s11, $0x4  }
0x8a: {  	s11 =	sshll.u32 @!p1 s11, $0x7;
	s24 =	sand.u32 @!p1 $0x40, s24  }
0x8b: {  	s11 =	sand.u32 @!p1 $0xFFFFC00, s11;
	s24 =	sadd.s32 @!p1 s1, s24  }
0x8c: {  	s11 =	sadd.s32 @!p1 s11, s24;
	s24 =	simm.s32 @!p1 $0x1000  }
0x8d: {  	[tilespmem:s24], [sflag:$0x1] =	stream.strided.gather @!p1 [hbm4b:s11+s22], $0x800, s23, s22, $0x38;
	[tilespmem:$0x9000] =	vst v63  }
0x8e: {  	s11 =	sadd.s32 @!p1 $0x3002, s9  }
0x8f: {  	s24 =	sshll.u32 @!p1 s11, $0x4  }
0x90: {  	s11 =	sshll.u32 @!p1 s11, $0x7;
	s24 =	sand.u32 @!p1 $0x40, s24  }
0x91: {  	s11 =	sand.u32 @!p1 $0xFFFFC00, s11;
	s24 =	sadd.s32 @!p1 s1, s24  }
0x92: {  	s11 =	sadd.s32 @!p1 s11, s24;
	s24 =	simm.s32 @!p1 $0x1800  }
0x93: {  	[tilespmem:s24], [sflag:$0x1] =	stream.strided.gather @!p1 [hbm4b:s11+s22], $0x800, s23, s22, $0x38;
	[tilespmem:$0x9000] =	vst v63  }
0x94: {  	s10 =	sadd.s32 @!p1 s3, s10;
	s11 =	simm.s32 @!p1 $0x8000  }
0x95: {  	[tilespmem:s11], [sflag:$0x3] =	stream.strided.gather @!p1 [hbm4b:s10+s22], $0x800, s23, s22, $0x38;
	[tilespmem:$0x9000] =	vst v63  }
0x96: {  	_ =	swait.ge [sflag:s6], $0x800  }
0x97: {  	[sflag:s6] =	ssyncset.done $0x0  }
0x98: {  	[sflag:s6] =	ssyncadd.s32 $0xFFFFF800  }
0x99: {  	_ =	swait.ge [sflag:s6], $0x800  }
0x9a: {  	[sflag:s6] =	ssyncset.done $0x0  }
0x9b: {  	[sflag:s6] =	ssyncadd.s32 $0xFFFFF800  }
0x9c: {  	_ =	swait.ge [sflag:s6], $0x800  }
0x9d: {  	[sflag:s6] =	ssyncset.done $0x0  }
0x9e: {  	[sflag:s6] =	ssyncadd.s32 $0xFFFFF800  }
0x9f: {  	_ =	swait.ge [sflag:s6], $0x800  }
0xa0: {  	[sflag:s6] =	ssyncset.done $0x0  }
0xa1: {  	[sflag:s6] =	ssyncadd.s32 $0xFFFFF800  }
0xa2: {  	_ =	swait.ge [sflag:s18], $0x800  }
0xa3: {  	[sflag:s18] =	ssyncset.done $0x0  }
0xa4: {  	s10 =	simm.s32 @!p0 $0x6;
	[sflag:s18] =	ssyncadd.s32 $0xFFFFF800  }
0xa5: {  	_ =	swait.ge @!p0 [sflag:s10], $0x800  }
0xa6: {  	[sflag:s10] =	ssyncset.done @!p0 $0x0  }
0xa7: {  	[sflag:s10] =	ssyncadd.s32 @!p0 $0xFFFFF800  }
0xa8: {  	_ =	swait.ge @!p0 [sflag:s10], $0x800  }
0xa9: {  	[sflag:s10] =	ssyncset.done @!p0 $0x0  }
0xaa: {  	[sflag:s10] =	ssyncadd.s32 @!p0 $0xFFFFF800  }
0xab: {  	_ =	swait.ge @!p0 [sflag:s10], $0x800  }
0xac: {  	[sflag:s10] =	ssyncset.done @!p0 $0x0  }
0xad: {  	[sflag:s10] =	ssyncadd.s32 @!p0 $0xFFFFF800  }
0xae: {  	s23 =	simm.s32 $0x0;
	_ =	swait.ge @!p0 [sflag:s10], $0x800  }
0xaf: {  	s24 =	sand.u32 $0x70, s23;
	s11 =	sand.u32 $0x700, s23;
	[sflag:s10] =	ssyncset.done @!p0 $0x0  }
0xb0: {  	[sflag:s10] =	ssyncadd.s32 @!p0 $0xFFFFF800;
	s10 =	sor.u32 s24, s11  }
0xb1: {  	v0 =	vld [tilespmem:s10+$0x8880]  }
0xb2: {  	v3 =	vld [tilespmem:s10+$0x3880]  }
0xb3: {  	v1 =	vld [tilespmem:s10+$0x8800]  }
0xb4: {  	v6 =	vld [tilespmem:s10+$0x2000]  }
0xb5: {  	v8 =	vld [tilespmem:s10+$0x2800]  }
0xb6: {  	v4 =	vld [tilespmem:s10+$0x3000]  }
0xb7: {  	v2 =	vld [tilespmem:s10+$0x3800];
	v7 =	vadd.f32 v3, v0  }
0xb8: {  	s22 =	simm.s32 $0x20;
	s23 =	simm.s32 $0x10;
	v3 =	vld [tilespmem:s10+$0x2080]  }
0xb9: {  	s11 =	sand.u32 $0x70, s23;
	s24 =	sand.u32 $0x700, s22;
	v5 =	vld [tilespmem:s10+$0x2880];
	[tilespmem:s10+$0x7880] =	vst v7;
	v7 =	vadd.f32 v6, v1  }
0xba: {  	s23 =	simm.s32 $0x20;
	s11 =	sor.u32 s11, s24;
	v8 =	vadd.f32 v8, v1;
	v6 =	vld [tilespmem:s10+$0x3080]  }
.LBB2_5:
0xbb: {  	p0 =	sne.s32 s23, $0x3F0;
	v9 =	vld [tilespmem:s11+$0x8880];
	[tilespmem:s10+$0x6000] =	vst v7;
	v4 =	vadd.f32 v4, v1  }
0xbc: {  	v7 =	vld [tilespmem:s11+$0x3880];
	[tilespmem:s10+$0x6800] =	vst v8;
	v2 =	vadd.f32 v2, v1  }
0xbd: {  	v1 =	vld [tilespmem:s11+$0x8800];
	[tilespmem:s10+$0x7000] =	vst v4;
	v3 =	vadd.f32 v3, v0  }
0xbe: {  	v8 =	vld [tilespmem:s11+$0x2000];
	[tilespmem:s10+$0x7800] =	vst v2;
	v2 =	vadd.f32 v5, v0  }
0xbf: {  	v10 =	vld [tilespmem:s11+$0x2800];
	[tilespmem:s10+$0x6080] =	vst v3;
	v3 =	vadd.f32 v6, v0  }
.Ltmp1:
0xc0: {  	v4 =	vld [tilespmem:s11+$0x3000];
	[tilespmem:s10+$0x6880] =	vst v2;
	v0 =	vmov v9;
	(pc) =	sbr.rel @p0 .LBB2_5-.Ltmp1, $4  }
0xc1: {  	v2 =	vld [tilespmem:s11+$0x3800];
	v6 =	vadd.f32 v7, v0;
	[tilespmem:s10+$0x7080] =	vst v3;
	s10 =	smov.u32 s11  }
0xc2: {  	s22 =	sadd.s32 $0x20, s22;
	v3 =	vld [tilespmem:s10+$0x2080]  }
0xc3: {  	s24 =	sand.u32 $0x700, s22;
	s11 =	sand.u32 $0x70, s23;
	v7 =	vadd.f32 v8, v1;
	v5 =	vld [tilespmem:s10+$0x2880];
	[tilespmem:s10+$0x7880] =	vst v6  }
0xc4: {  	s23 =	sadd.s32 $0x10, s23;
	s11 =	sor.u32 s11, s24;
	v8 =	vadd.f32 v10, v1;
	v6 =	vld [tilespmem:s10+$0x3080]  }
0xc5: {  	v9 =	vld [tilespmem:s11+$0x8880];
	[tilespmem:s10+$0x6000] =	vst v7;
	v4 =	vadd.f32 v4, v1  }
0xc6: {  	v7 =	vld [tilespmem:s11+$0x3880];
	[tilespmem:s10+$0x6800] =	vst v8;
	v51 =	vadd.f32 v2, v1  }
0xc7: {  	v8 =	vld [tilespmem:s11+$0x8800];
	[tilespmem:s10+$0x7000] =	vst v4;
	v3 =	vadd.f32 v3, v0  }
0xc8: {  	v52 =	vld [tilespmem:s11+$0x2000];
	[tilespmem:s10+$0x7800] =	vst v51;
	v53 =	vadd.f32 v5, v0  }
0xc9: {  	v1 =	vld [tilespmem:s11+$0x2800];
	[tilespmem:s10+$0x6080] =	vst v3;
	v54 =	vadd.f32 v6, v0  }
0xca: {  	v3 =	vld [tilespmem:s11+$0x3000];
	[tilespmem:s10+$0x6880] =	vst v53  }
0xcb: {  	v4 =	vld [tilespmem:s11+$0x3800];
	[tilespmem:s10+$0x7080] =	vst v54  }
0xcc: {  	v55 =	vadd.f32 v7, v9;
	v56 =	vld [tilespmem:s11+$0x2080]  }
0xcd: {  	v57 =	vld [tilespmem:s11+$0x2880];
	v2 =	vadd.f32 v52, v8  }
0xce: {  	v59 =	vld [tilespmem:s11+$0x3080];
	[tilespmem:s11+$0x7880] =	vst v55;
	v58 =	vadd.f32 v1, v8  }
0xcf: {  	[tilespmem:s11+$0x6000] =	vst v2;
	v60 =	vadd.f32 v3, v8  }
0xd0: {  	[tilespmem:s11+$0x6800] =	vst v58;
	v61 =	vadd.f32 v4, v8  }
0xd1: {  	[tilespmem:s11+$0x7000] =	vst v60;
	v62 =	vadd.f32 v56, v9  }
0xd2: {  	s7 =	sshll.u32 s7, $0x5;
	v63 =	vadd.f32 v57, v9;
	[tilespmem:s11+$0x7800] =	vst v61  }
0xd3: {  	s9 =	sshll.u32 s9, $0x7;
	s7 =	sand.u32 $0x60, s7;
	v1 =	vadd.f32 v59, v9;
	[tilespmem:s11+$0x6080] =	vst v62  }
0xd4: {  	s9 =	sand.u32 $0xFFFFC00, s9;
	s22 =	sadd.s32 s4, s7;
	[tilespmem:s11+$0x6880] =	vst v63  }
0xd5: {  	s15 =	sadd.s32 $0x1, s15;
	s23 =	sadd.s32 s7, s12;
	s10 =	sadd.s32 s9, s22;
	[tilespmem:s11+$0x7080] =	vst v1  }
0xd6: {  	[hbm4b:s10+s16] =	stream.strided.scatter [tilespmem:s19], [sflag:$0x6], $0x800, s17, s16, $0x38;
	[tilespmem:$0x9000] =	vst v63  }
0xd7: {  	p0 =	sne.s32 s15, $0x20;
	s10 =	sadd.s32 s9, s23  }
0xd8: {  	[hbm4b:s10+s16] =	stream.strided.scatter [tilespmem:s20], [sflag:$0x6], $0x800, s17, s16, $0x38;
	[tilespmem:$0x9000] =	vst v63  }
.Ltmp2:
0xd9: {  	s24 =	sadd.s32 s7, s13;
	(pc) =	sbr.rel @p0 .LBB2_2-.Ltmp2, $4  }
0xda: {  	s7 =	sadd.s32 s7, s14;
	s10 =	sadd.s32 s9, s24  }
0xdb: {  	[hbm4b:s10+s16] =	stream.strided.scatter [tilespmem:s21], [sflag:$0x6], $0x800, s17, s16, $0x38;
	[tilespmem:$0x9000] =	vst v63  }
0xdc: {  	s7 =	sadd.s32 s9, s7  }
0xdd: {  	[hbm4b:s7+s16] =	stream.strided.scatter [tilespmem:s8], [sflag:$0x6], $0x800, s17, s16, $0x38;
	[tilespmem:$0x9000] =	vst v63  }
0xde: {  	s7 =	simm.s32 $0x5  }
0xdf: {  	_ =	swait.ge [sflag:s7], $0x800  }
0xe0: {  	[sflag:s7] =	ssyncset.done $0x0  }
0xe1: {  	[sflag:s7] =	ssyncadd.s32 $0xFFFFF800  }
0xe2: {  	_ =	swait.ge [sflag:s7], $0x800  }
0xe3: {  	[sflag:s7] =	ssyncset.done $0x0  }
0xe4: {  	[sflag:s7] =	ssyncadd.s32 $0xFFFFF800  }
0xe5: {  	_ =	swait.ge [sflag:s7], $0x800  }
0xe6: {  	[sflag:s7] =	ssyncset.done $0x0  }
0xe7: {  	[sflag:s7] =	ssyncadd.s32 $0xFFFFF800  }
0xe8: {  	_ =	swait.ge [sflag:s7], $0x800  }
0xe9: {  	[sflag:s7] =	ssyncset.done $0x0  }
0xea: {  	s9 =	simm.s32 $0x6;
	[sflag:s7] =	ssyncadd.s32 $0xFFFFF800  }
0xeb: {  	_ =	swait.ge [sflag:s9], $0x800  }
0xec: {  	[sflag:s9] =	ssyncset.done $0x0  }
0xed: {  	[sflag:s9] =	ssyncadd.s32 $0xFFFFF800  }
0xee: {  	_ =	swait.ge [sflag:s9], $0x800  }
0xef: {  	[sflag:s9] =	ssyncset.done $0x0  }
0xf0: {  	[sflag:s9] =	ssyncadd.s32 $0xFFFFF800  }
0xf1: {  	_ =	swait.ge [sflag:s9], $0x800  }
0xf2: {  	[sflag:s9] =	ssyncset.done $0x0  }
0xf3: {  	[sflag:s9] =	ssyncadd.s32 $0xFFFFF800  }
0xf4: {  	_ =	swait.ge [sflag:s9], $0x800  }
0xf5: {  	s10 =	rddreg [dreg:$0xa]  }
0xf6: {  	s24 =	rddreg [dreg:$0x9];
	s10 =	sadd.s32 $0x1, s10  }
0xf7: {  	p0 =	sne.s32 s10, s24  }
.Ltmp3:
0xf8: {  	_ = 	snop;
	(pc) =	sbr.rel @p0 .LBB2_1-.Ltmp3, $3  }
0xf9: {  	_ =	sdelay $0x1  }
0xfa: {  	[sflag:s9] =	ssyncset.done $0x0  }
0xfb: {  	[sflag:s9] =	ssyncadd.s32 $0xFFFFF800  }
0xfc: {  	_ =	sfence.sel $0x180000  }
0xfd: {  	[bflag:$0x0] =	sbarrier.arrive $0xFFFF  }
0xfe: {  	_ =	strace $0x90000047  }
0xff: {  	s0 =	stileid.u32;
	[bflag:$0x2] =	sbarrier.arrive $0xFFFF  }
0x100: {  	p0 =	sne.s32 s0, $0x0;
	s0 =	rddreg [dreg:$0x3]  }
0x101: {  	s0 =	sadd.s32 @!p0 $0x100000, s0  }
0x102: {  	[sflag:s0] =	ssyncadd.tile.s32 @!p0 $0x1;
	_ =	shalt  }
.Lfunc_end2:
_tile_overlayer_lowered:
.L_overlay_start_2:
0x103: {  	(tag) =	ssettag $0x2  }
0x104: {  	s0 =	rddreg [dreg:$0x0];
	s2 =	stileid.u32  }
0x105: {  	s1 =	rddreg [dreg:$0x1];
	p0 =	sne.s32 s2, $0x0  }
0x106: {  	s3 =	rddreg [dreg:$0x2];
	[bflag:$0x3] =	sbarrier.arrive $0xFFFF;
	s2 =	simm.s32 @!p0 $0x1C07  }
0x107: {  	[timem:s3], [sflag:s2] =	dma.local @!p0 [hbm:s0], s1  }
0x108: {  	s0 =	simm.s32 @!p0 $0x7  }
0x109: {  	_ =	swait.ge @!p0 [sflag:s0], s1  }
0x10a: {  	s1 =	ssub.s32 @!p0 $0x0, s1;
	[sflag:s0] =	ssyncset.done @!p0 $0x0  }
0x10b: {  	[sflag:s0] =	ssyncadd.s32 @!p0 s1  }
0x10c: {  	[bflag:$0x3] =	sbarrier.arrive $0xFFFF  }
0x10d: {  	_ =	shalt  }

</sc_bundles>
